<compile_context>
chip_gen: v7x
topology: tpu7x:2x2x1
jax: 0.10.2.dev20260603
libtpu: 0.0.44.dev20260713+nightly
codegen_flags: <defaults>
</compile_context>

<pallas_src>
import functools

import jax
import jax.numpy as jnp
from jax import lax
from jax.experimental import pallas as pl
from jax.experimental.pallas import tpu as pltpu, tpu_sc as plsc

_R = 5
_C = 5
_N = 20
_L = 16

_mesh = plsc.VectorSubcoreMesh(core_axis_name="c", subcore_axis_name="s",
                               num_cores=1)


@functools.partial(
    pl.kernel,
    out_type=jax.ShapeDtypeStruct((_R * _N,), jnp.float32),
    mesh=_mesh,
    scratch_types=[
        pltpu.VMEM((40,), jnp.float32),
        pltpu.VMEM((40,), jnp.float32),
        pltpu.VMEM((_L,), jnp.float32),
        pltpu.VMEM((_L,), jnp.int32),
        pltpu.VMEM((104,), jnp.float32),
        pltpu.VMEM((104,), jnp.float32),
        pltpu.SemaphoreType.DMA,
    ],
)
def _sc_kernel(xf_hbm, wf_hbm, b_hbm, idx_hbm, of_hbm, out_hbm,
               x_v, w_v, b_v, i_v, o_v, z_v, sem):
    wid = lax.axis_index("s") * _mesh.num_cores + lax.axis_index("c")

    @pl.when(wid == 0)
    def _():
        cps = [
            pltpu.async_copy(xf_hbm, x_v.at[pl.ds(0, _R * _C)], sem),
            pltpu.async_copy(wf_hbm, w_v.at[pl.ds(0, _R * _C)], sem),
            pltpu.async_copy(b_hbm, b_v.at[pl.ds(0, _C)], sem),
            pltpu.async_copy(idx_hbm, i_v.at[pl.ds(0, _C)], sem),
            pltpu.async_copy(of_hbm, o_v.at[pl.ds(0, _R * _N)], sem),
        ]
        for cp in cps:
            cp.wait()

        x_lo = x_v[pl.ds(0, _L)]
        x_hi = x_v[pl.ds(9, _L)]
        w_lo = w_v[pl.ds(0, _L)]
        w_hi = w_v[pl.ds(9, _L)]
        b_vec = b_v[pl.ds(0, _L)]
        ivec = i_v[pl.ds(0, _L)]

        def xs(p):
            return x_lo[p] if p < _L else x_hi[p - 9]

        def ws(p):
            return w_lo[p] if p < _L else w_hi[p - 9]

        lane = lax.iota(jnp.int32, _L)
        wt = []
        for k in range(_C):
            v = jnp.full((_L,), ws(k), jnp.float32)
            for j in range(1, _C):
                v = jnp.where(lane == j,
                              jnp.full((_L,), ws(j * _C + k), jnp.float32), v)
            wt.append(v)

        col0 = lane
        col1 = lane + (_N - _L)

        for i in range(_R):
            acc = b_vec
            for k in range(_C):
                acc = acc + jnp.full((_L,), xs(i * _C + k), jnp.float32) * wt[k]
            z0 = o_v[pl.ds(i * _N, _L)]
            z1 = o_v[pl.ds(i * _N + _N - _L, _L)]
            for j in range(_C):
                cj = jnp.full((_L,), ivec[j], jnp.int32)
                yj = jnp.full((_L,), acc[j], jnp.float32)
                z0 = jnp.where(col0 == cj, yj, z0)
                z1 = jnp.where(col1 == cj, yj, z1)
            z_v[pl.ds(i * _N, _L)] = z0
            z_v[pl.ds(i * _N + _N - _L, _L)] = z1

        pltpu.sync_copy(z_v.at[pl.ds(0, _R * _N)], out_hbm)


def kernel(x, indices, W, b, other):
    out = _sc_kernel(x.reshape(-1), W.reshape(-1), b,
                     indices.astype(jnp.int32), other.reshape(-1))
    return out.reshape(_R, _N)

# --- scband reference (transcript-rebuilt; emitter-appended) ---
"""Pipeline reference for scband-mod-51900384804876 (READ-ONLY COPY).

The authoritative reference and input builder live on the scoring server;
editing this copy changes nothing except your own understanding.
"""

import jax, jax.numpy as jnp
import numpy as np


def setup_inputs(seed: int = 0) -> dict:
    key = jax.random.key(seed)
    k1, k2, k3 = jax.random.split(key, 3)
    # forward input x: float32[5, 5] (Linear(5, 5) requires last dim 5; z[:, indices] = y requires y to be [5, len(indices)])
    x = jax.random.normal(k1, (5, 5), dtype=jnp.float32)
    # indices: int[5], values must be < 20 (columns of the buffer). arange keeps them unique and in-range.
    indices = jnp.arange(5)
    # Learned parameters of nn.Linear(5, 5)
    W = jax.random.normal(k2, (5, 5), dtype=jnp.float32) * (1.0 / np.sqrt(5.0))
    b = jax.random.normal(k3, (5,), dtype=jnp.float32) * (1.0 / np.sqrt(5.0))
    # Registered buffer: torch.randn(5, 20) * 0 == zeros
    other = jnp.zeros((5, 20), dtype=jnp.float32)
    return {"x": x, "indices": indices, "W": W, "b": b, "other": other}


def reference(x, indices, W, b, other):
    # y = self.lin(x)
    y = x @ W.T + b
    # z = self.other; z[:, indices] = y  (scatter-overwrite into columns of the buffer)
    z = other.at[:, indices].set(y)
    return z

if __name__ == "__main__":
    import jax
    _d = setup_inputs()
    print(jax.jit(kernel)(*tuple(_d.values())))

</pallas_src>

<mosaic_0001>
#map = affine_map<(d0, d1) -> (0)>
module attributes {stable_mosaic.version = 14 : i64} {
  func.func @_sc_kernel(%arg0: i32, %arg1: i32, %arg2: memref<25xf32, #tpu.memory_space<hbm>>, %arg3: memref<25xf32, #tpu.memory_space<hbm>>, %arg4: memref<5xf32, #tpu.memory_space<hbm>>, %arg5: memref<5xi32, #tpu.memory_space<hbm>>, %arg6: memref<100xf32, #tpu.memory_space<hbm>>, %arg7: memref<100xf32, #tpu.memory_space<hbm>>, %arg8: memref<40xf32, #tpu.memory_space<vmem>>, %arg9: memref<40xf32, #tpu.memory_space<vmem>>, %arg10: memref<16xf32, #tpu.memory_space<vmem>>, %arg11: memref<16xi32, #tpu.memory_space<vmem>>, %arg12: memref<104xf32, #tpu.memory_space<vmem>>, %arg13: memref<104xf32, #tpu.memory_space<vmem>>, %arg14: memref<!tpu.dma_semaphore, #tpu.memory_space<semaphore_mem>>) attributes {dimension_semantics = [#tpu.dimension_semantics<core_parallel>, #tpu.dimension_semantics<subcore_parallel>], iteration_bounds = array<i64: 1, 16>, scalar_prefetch = 0 : i64, scratch_operands = 7 : i64, tpu.core_type = #tpu.core_type<sc_vector_subcore>, window_params = [{transform_indices = #map}, {transform_indices = #map}, {transform_indices = #map}, {transform_indices = #map}, {transform_indices = #map}, {transform_indices = #map}]} {
    %mul3A = arith.constant 1 : i32
    %mul3A_0 = arith.muli %arg1, %mul3A : i32
    %add3A = arith.addi %mul3A_0, %arg0 : i32
    %eq3A = arith.constant 0 : i32
    %eq3A_1 = arith.cmpi eq, %add3A, %eq3A : i32
    %convert_element_type3A = arith.extui %eq3A_1 : i1 to i32
    %cond3A = arith.constant 0 : i32
    %cond3A_2 = arith.cmpi ne, %convert_element_type3A, %cond3A : i32
    scf.if %cond3A_2 {
      %dma_start3A = arith.constant 0 : i32
      %dma_start3A_3 = tpu.memref_slice %arg8[%dma_start3A] : memref<40xf32, #tpu.memory_space<vmem>> -> memref<25xf32, #tpu.memory_space<vmem>>
      %dma_start3A_4 = arith.constant 0 : i32
      %dma_start3A_5 = tpu.memref_slice %arg8[%dma_start3A_4] : memref<40xf32, #tpu.memory_space<vmem>> -> memref<25xf32, #tpu.memory_space<vmem>>
      tpu.enqueue_dma source(%arg2 : memref<25xf32, #tpu.memory_space<hbm>>) target(%dma_start3A_5 : memref<25xf32, #tpu.memory_space<vmem>>) target_semaphore(%arg14 : memref<!tpu.dma_semaphore, #tpu.memory_space<semaphore_mem>>)
      %dma_start3A_6 = arith.constant 0 : i32
      %dma_start3A_7 = tpu.memref_slice %arg9[%dma_start3A_6] : memref<40xf32, #tpu.memory_space<vmem>> -> memref<25xf32, #tpu.memory_space<vmem>>
      %dma_start3A_8 = arith.constant 0 : i32
      %dma_start3A_9 = tpu.memref_slice %arg9[%dma_start3A_8] : memref<40xf32, #tpu.memory_space<vmem>> -> memref<25xf32, #tpu.memory_space<vmem>>
      tpu.enqueue_dma source(%arg3 : memref<25xf32, #tpu.memory_space<hbm>>) target(%dma_start3A_9 : memref<25xf32, #tpu.memory_space<vmem>>) target_semaphore(%arg14 : memref<!tpu.dma_semaphore, #tpu.memory_space<semaphore_mem>>)
      %dma_start3A_10 = arith.constant 0 : i32
      %dma_start3A_11 = tpu.memref_slice %arg10[%dma_start3A_10] : memref<16xf32, #tpu.memory_space<vmem>> -> memref<5xf32, #tpu.memory_space<vmem>>
      %dma_start3A_12 = arith.constant 0 : i32
      %dma_start3A_13 = tpu.memref_slice %arg10[%dma_start3A_12] : memref<16xf32, #tpu.memory_space<vmem>> -> memref<5xf32, #tpu.memory_space<vmem>>
      tpu.enqueue_dma source(%arg4 : memref<5xf32, #tpu.memory_space<hbm>>) target(%dma_start3A_13 : memref<5xf32, #tpu.memory_space<vmem>>) target_semaphore(%arg14 : memref<!tpu.dma_semaphore, #tpu.memory_space<semaphore_mem>>)
      %dma_start3A_14 = arith.constant 0 : i32
      %dma_start3A_15 = tpu.memref_slice %arg11[%dma_start3A_14] : memref<16xi32, #tpu.memory_space<vmem>> -> memref<5xi32, #tpu.memory_space<vmem>>
      %dma_start3A_16 = arith.constant 0 : i32
      %dma_start3A_17 = tpu.memref_slice %arg11[%dma_start3A_16] : memref<16xi32, #tpu.memory_space<vmem>> -> memref<5xi32, #tpu.memory_space<vmem>>
      tpu.enqueue_dma source(%arg5 : memref<5xi32, #tpu.memory_space<hbm>>) target(%dma_start3A_17 : memref<5xi32, #tpu.memory_space<vmem>>) target_semaphore(%arg14 : memref<!tpu.dma_semaphore, #tpu.memory_space<semaphore_mem>>)
      %dma_start3A_18 = arith.constant 0 : i32
      %dma_start3A_19 = tpu.memref_slice %arg12[%dma_start3A_18] : memref<104xf32, #tpu.memory_space<vmem>> -> memref<100xf32, #tpu.memory_space<vmem>>
      %dma_start3A_20 = arith.constant 0 : i32
      %dma_start3A_21 = tpu.memref_slice %arg12[%dma_start3A_20] : memref<104xf32, #tpu.memory_space<vmem>> -> memref<100xf32, #tpu.memory_space<vmem>>
      tpu.enqueue_dma source(%arg6 : memref<100xf32, #tpu.memory_space<hbm>>) target(%dma_start3A_21 : memref<100xf32, #tpu.memory_space<vmem>>) target_semaphore(%arg14 : memref<!tpu.dma_semaphore, #tpu.memory_space<semaphore_mem>>)
      %dma_wait3A = arith.constant 0 : i32
      %dma_wait3A_22 = tpu.memref_slice %arg8[%dma_wait3A] : memref<40xf32, #tpu.memory_space<vmem>> -> memref<25xf32, #tpu.memory_space<vmem>>
      %dma_wait3A_23 = arith.constant 0 : i32
      %dma_wait3A_24 = tpu.memref_slice %arg8[%dma_wait3A_23] : memref<40xf32, #tpu.memory_space<vmem>> -> memref<25xf32, #tpu.memory_space<vmem>>
      tpu.wait_dma2 semaphore(%arg14 : memref<!tpu.dma_semaphore, #tpu.memory_space<semaphore_mem>>) src(%arg2 : memref<25xf32, #tpu.memory_space<hbm>>) dst(%dma_wait3A_24 : memref<25xf32, #tpu.memory_space<vmem>>)
      %dma_wait3A_25 = arith.constant 0 : i32
      %dma_wait3A_26 = tpu.memref_slice %arg9[%dma_wait3A_25] : memref<40xf32, #tpu.memory_space<vmem>> -> memref<25xf32, #tpu.memory_space<vmem>>
      %dma_wait3A_27 = arith.constant 0 : i32
      %dma_wait3A_28 = tpu.memref_slice %arg9[%dma_wait3A_27] : memref<40xf32, #tpu.memory_space<vmem>> -> memref<25xf32, #tpu.memory_space<vmem>>
      tpu.wait_dma2 semaphore(%arg14 : memref<!tpu.dma_semaphore, #tpu.memory_space<semaphore_mem>>) src(%arg3 : memref<25xf32, #tpu.memory_space<hbm>>) dst(%dma_wait3A_28 : memref<25xf32, #tpu.memory_space<vmem>>)
      %dma_wait3A_29 = arith.constant 0 : i32
      %dma_wait3A_30 = tpu.memref_slice %arg10[%dma_wait3A_29] : memref<16xf32, #tpu.memory_space<vmem>> -> memref<5xf32, #tpu.memory_space<vmem>>
      %dma_wait3A_31 = arith.constant 0 : i32
      %dma_wait3A_32 = tpu.memref_slice %arg10[%dma_wait3A_31] : memref<16xf32, #tpu.memory_space<vmem>> -> memref<5xf32, #tpu.memory_space<vmem>>
      tpu.wait_dma2 semaphore(%arg14 : memref<!tpu.dma_semaphore, #tpu.memory_space<semaphore_mem>>) src(%arg4 : memref<5xf32, #tpu.memory_space<hbm>>) dst(%dma_wait3A_32 : memref<5xf32, #tpu.memory_space<vmem>>)
      %dma_wait3A_33 = arith.constant 0 : i32
      %dma_wait3A_34 = tpu.memref_slice %arg11[%dma_wait3A_33] : memref<16xi32, #tpu.memory_space<vmem>> -> memref<5xi32, #tpu.memory_space<vmem>>
      %dma_wait3A_35 = arith.constant 0 : i32
      %dma_wait3A_36 = tpu.memref_slice %arg11[%dma_wait3A_35] : memref<16xi32, #tpu.memory_space<vmem>> -> memref<5xi32, #tpu.memory_space<vmem>>
      tpu.wait_dma2 semaphore(%arg14 : memref<!tpu.dma_semaphore, #tpu.memory_space<semaphore_mem>>) src(%arg5 : memref<5xi32, #tpu.memory_space<hbm>>) dst(%dma_wait3A_36 : memref<5xi32, #tpu.memory_space<vmem>>)
      %dma_wait3A_37 = arith.constant 0 : i32
      %dma_wait3A_38 = tpu.memref_slice %arg12[%dma_wait3A_37] : memref<104xf32, #tpu.memory_space<vmem>> -> memref<100xf32, #tpu.memory_space<vmem>>
      %dma_wait3A_39 = arith.constant 0 : i32
      %dma_wait3A_40 = tpu.memref_slice %arg12[%dma_wait3A_39] : memref<104xf32, #tpu.memory_space<vmem>> -> memref<100xf32, #tpu.memory_space<vmem>>
      tpu.wait_dma2 semaphore(%arg14 : memref<!tpu.dma_semaphore, #tpu.memory_space<semaphore_mem>>) src(%arg6 : memref<100xf32, #tpu.memory_space<hbm>>) dst(%dma_wait3A_40 : memref<100xf32, #tpu.memory_space<vmem>>)
      %get3A = arith.constant 0 : index
      %get3A_41 = tpu.vector_load %arg8[%get3A] {strides = array<i32>} : memref<40xf32, #tpu.memory_space<vmem>>, vector<16xf32>,
      %get3A_42 = vector.shape_cast %get3A_41 : vector<16xf32> to vector<16xf32>
      %get3A_43 = arith.constant 9 : index
      %get3A_44 = tpu.vector_load %arg8[%get3A_43] {strides = array<i32>} : memref<40xf32, #tpu.memory_space<vmem>>, vector<16xf32>,
      %get3A_45 = vector.shape_cast %get3A_44 : vector<16xf32> to vector<16xf32>
      %get3A_46 = arith.constant 0 : index
      %get3A_47 = tpu.vector_load %arg9[%get3A_46] {strides = array<i32>} : memref<40xf32, #tpu.memory_space<vmem>>, vector<16xf32>,
      %get3A_48 = vector.shape_cast %get3A_47 : vector<16xf32> to vector<16xf32>
      %get3A_49 = arith.constant 9 : index
      %get3A_50 = tpu.vector_load %arg9[%get3A_49] {strides = array<i32>} : memref<40xf32, #tpu.memory_space<vmem>>, vector<16xf32>,
      %get3A_51 = vector.shape_cast %get3A_50 : vector<16xf32> to vector<16xf32>
      %get3A_52 = arith.constant 0 : index
      %get3A_53 = tpu.vector_load %arg10[%get3A_52] {strides = array<i32>} : memref<16xf32, #tpu.memory_space<vmem>>, vector<16xf32>,
      %get3A_54 = vector.shape_cast %get3A_53 : vector<16xf32> to vector<16xf32>
      %get3A_55 = arith.constant 0 : index
      %get3A_56 = tpu.vector_load %arg11[%get3A_55] {strides = array<i32>} : memref<16xi32, #tpu.memory_space<vmem>>, vector<16xi32>,
      %get3A_57 = vector.shape_cast %get3A_56 : vector<16xi32> to vector<16xi32>
      %iota3A = tpu.iota {dimensions = array<i32: 0>} : vector<16xi32>
      %slice3A = vector.extract_strided_slice %get3A_48 {offsets = [0], sizes = [1], strides = [1]} : vector<16xf32> to vector<1xf32>
      %squeeze3A = vector.extract %slice3A[0] : f32 from vector<1xf32>
      %broadcast_in_dim3A = vector.broadcast %squeeze3A : f32 to vector<16xf32>
      %eq3A_58 = arith.constant 1 : i32
      %eq3A_59 = vector.broadcast %eq3A_58 : i32 to vector<16xi32>
      %eq3A_60 = arith.cmpi eq, %iota3A, %eq3A_59 : vector<16xi32>
      %slice3A_61 = vector.extract_strided_slice %get3A_48 {offsets = [5], sizes = [1], strides = [1]} : vector<16xf32> to vector<1xf32>
      %squeeze3A_62 = vector.extract %slice3A_61[0] : f32 from vector<1xf32>
      %broadcast_in_dim3A_63 = vector.broadcast %squeeze3A_62 : f32 to vector<16xf32>
      %select_n3A = arith.select %eq3A_60, %broadcast_in_dim3A_63, %broadcast_in_dim3A : vector<16xi1>, vector<16xf32>
      %eq3A_64 = arith.constant 2 : i32
      %eq3A_65 = vector.broadcast %eq3A_64 : i32 to vector<16xi32>
      %eq3A_66 = arith.cmpi eq, %iota3A, %eq3A_65 : vector<16xi32>
      %slice3A_67 = vector.extract_strided_slice %get3A_48 {offsets = [10], sizes = [1], strides = [1]} : vector<16xf32> to vector<1xf32>
      %squeeze3A_68 = vector.extract %slice3A_67[0] : f32 from vector<1xf32>
      %broadcast_in_dim3A_69 = vector.broadcast %squeeze3A_68 : f32 to vector<16xf32>
      %select_n3A_70 = arith.select %eq3A_66, %broadcast_in_dim3A_69, %select_n3A : vector<16xi1>, vector<16xf32>
      %eq3A_71 = arith.constant 3 : i32
      %eq3A_72 = vector.broadcast %eq3A_71 : i32 to vector<16xi32>
      %eq3A_73 = arith.cmpi eq, %iota3A, %eq3A_72 : vector<16xi32>
      %slice3A_74 = vector.extract_strided_slice %get3A_48 {offsets = [15], sizes = [1], strides = [1]} : vector<16xf32> to vector<1xf32>
      %squeeze3A_75 = vector.extract %slice3A_74[0] : f32 from vector<1xf32>
      %broadcast_in_dim3A_76 = vector.broadcast %squeeze3A_75 : f32 to vector<16xf32>
      %select_n3A_77 = arith.select %eq3A_73, %broadcast_in_dim3A_76, %select_n3A_70 : vector<16xi1>, vector<16xf32>
      %eq3A_78 = arith.constant 4 : i32
      %eq3A_79 = vector.broadcast %eq3A_78 : i32 to vector<16xi32>
      %eq3A_80 = arith.cmpi eq, %iota3A, %eq3A_79 : vector<16xi32>
      %slice3A_81 = vector.extract_strided_slice %get3A_51 {offsets = [11], sizes = [1], strides = [1]} : vector<16xf32> to vector<1xf32>
      %squeeze3A_82 = vector.extract %slice3A_81[0] : f32 from vector<1xf32>
      %broadcast_in_dim3A_83 = vector.broadcast %squeeze3A_82 : f32 to vector<16xf32>
      %select_n3A_84 = arith.select %eq3A_80, %broadcast_in_dim3A_83, %select_n3A_77 : vector<16xi1>, vector<16xf32>
      %slice3A_85 = vector.extract_strided_slice %get3A_48 {offsets = [1], sizes = [1], strides = [1]} : vector<16xf32> to vector<1xf32>
      %squeeze3A_86 = vector.extract %slice3A_85[0] : f32 from vector<1xf32>
      %broadcast_in_dim3A_87 = vector.broadcast %squeeze3A_86 : f32 to vector<16xf32>
      %eq3A_88 = arith.constant 1 : i32
      %eq3A_89 = vector.broadcast %eq3A_88 : i32 to vector<16xi32>
      %eq3A_90 = arith.cmpi eq, %iota3A, %eq3A_89 : vector<16xi32>
      %slice3A_91 = vector.extract_strided_slice %get3A_48 {offsets = [6], sizes = [1], strides = [1]} : vector<16xf32> to vector<1xf32>
      %squeeze3A_92 = vector.extract %slice3A_91[0] : f32 from vector<1xf32>
      %broadcast_in_dim3A_93 = vector.broadcast %squeeze3A_92 : f32 to vector<16xf32>
      %select_n3A_94 = arith.select %eq3A_90, %broadcast_in_dim3A_93, %broadcast_in_dim3A_87 : vector<16xi1>, vector<16xf32>
      %eq3A_95 = arith.constant 2 : i32
      %eq3A_96 = vector.broadcast %eq3A_95 : i32 to vector<16xi32>
      %eq3A_97 = arith.cmpi eq, %iota3A, %eq3A_96 : vector<16xi32>
      %slice3A_98 = vector.extract_strided_slice %get3A_48 {offsets = [11], sizes = [1], strides = [1]} : vector<16xf32> to vector<1xf32>
      %squeeze3A_99 = vector.extract %slice3A_98[0] : f32 from vector<1xf32>
      %broadcast_in_dim3A_100 = vector.broadcast %squeeze3A_99 : f32 to vector<16xf32>
      %select_n3A_101 = arith.select %eq3A_97, %broadcast_in_dim3A_100, %select_n3A_94 : vector<16xi1>, vector<16xf32>
      %eq3A_102 = arith.constant 3 : i32
      %eq3A_103 = vector.broadcast %eq3A_102 : i32 to vector<16xi32>
      %eq3A_104 = arith.cmpi eq, %iota3A, %eq3A_103 : vector<16xi32>
      %slice3A_105 = vector.extract_strided_slice %get3A_51 {offsets = [7], sizes = [1], strides = [1]} : vector<16xf32> to vector<1xf32>
      %squeeze3A_106 = vector.extract %slice3A_105[0] : f32 from vector<1xf32>
      %broadcast_in_dim3A_107 = vector.broadcast %squeeze3A_106 : f32 to vector<16xf32>
      %select_n3A_108 = arith.select %eq3A_104, %broadcast_in_dim3A_107, %select_n3A_101 : vector<16xi1>, vector<16xf32>
      %eq3A_109 = arith.constant 4 : i32
      %eq3A_110 = vector.broadcast %eq3A_109 : i32 to vector<16xi32>
      %eq3A_111 = arith.cmpi eq, %iota3A, %eq3A_110 : vector<16xi32>
      %slice3A_112 = vector.extract_strided_slice %get3A_51 {offsets = [12], sizes = [1], strides = [1]} : vector<16xf32> to vector<1xf32>
      %squeeze3A_113 = vector.extract %slice3A_112[0] : f32 from vector<1xf32>
      %broadcast_in_dim3A_114 = vector.broadcast %squeeze3A_113 : f32 to vector<16xf32>
      %select_n3A_115 = arith.select %eq3A_111, %broadcast_in_dim3A_114, %select_n3A_108 : vector<16xi1>, vector<16xf32>
      %slice3A_116 = vector.extract_strided_slice %get3A_48 {offsets = [2], sizes = [1], strides = [1]} : vector<16xf32> to vector<1xf32>
      %squeeze3A_117 = vector.extract %slice3A_116[0] : f32 from vector<1xf32>
      %broadcast_in_dim3A_118 = vector.broadcast %squeeze3A_117 : f32 to vector<16xf32>
      %eq3A_119 = arith.constant 1 : i32
      %eq3A_120 = vector.broadcast %eq3A_119 : i32 to vector<16xi32>
      %eq3A_121 = arith.cmpi eq, %iota3A, %eq3A_120 : vector<16xi32>
      %slice3A_122 = vector.extract_strided_slice %get3A_48 {offsets = [7], sizes = [1], strides = [1]} : vector<16xf32> to vector<1xf32>
      %squeeze3A_123 = vector.extract %slice3A_122[0] : f32 from vector<1xf32>
      %broadcast_in_dim3A_124 = vector.broadcast %squeeze3A_123 : f32 to vector<16xf32>
      %select_n3A_125 = arith.select %eq3A_121, %broadcast_in_dim3A_124, %broadcast_in_dim3A_118 : vector<16xi1>, vector<16xf32>
      %eq3A_126 = arith.constant 2 : i32
      %eq3A_127 = vector.broadcast %eq3A_126 : i32 to vector<16xi32>
      %eq3A_128 = arith.cmpi eq, %iota3A, %eq3A_127 : vector<16xi32>
      %slice3A_129 = vector.extract_strided_slice %get3A_48 {offsets = [12], sizes = [1], strides = [1]} : vector<16xf32> to vector<1xf32>
      %squeeze3A_130 = vector.extract %slice3A_129[0] : f32 from vector<1xf32>
      %broadcast_in_dim3A_131 = vector.broadcast %squeeze3A_130 : f32 to vector<16xf32>
      %select_n3A_132 = arith.select %eq3A_128, %broadcast_in_dim3A_131, %select_n3A_125 : vector<16xi1>, vector<16xf32>
      %eq3A_133 = arith.constant 3 : i32
      %eq3A_134 = vector.broadcast %eq3A_133 : i32 to vector<16xi32>
      %eq3A_135 = arith.cmpi eq, %iota3A, %eq3A_134 : vector<16xi32>
      %slice3A_136 = vector.extract_strided_slice %get3A_51 {offsets = [8], sizes = [1], strides = [1]} : vector<16xf32> to vector<1xf32>
      %squeeze3A_137 = vector.extract %slice3A_136[0] : f32 from vector<1xf32>
      %broadcast_in_dim3A_138 = vector.broadcast %squeeze3A_137 : f32 to vector<16xf32>
      %select_n3A_139 = arith.select %eq3A_135, %broadcast_in_dim3A_138, %select_n3A_132 : vector<16xi1>, vector<16xf32>
      %eq3A_140 = arith.constant 4 : i32
      %eq3A_141 = vector.broadcast %eq3A_140 : i32 to vector<16xi32>
      %eq3A_142 = arith.cmpi eq, %iota3A, %eq3A_141 : vector<16xi32>
      %slice3A_143 = vector.extract_strided_slice %get3A_51 {offsets = [13], sizes = [1], strides = [1]} : vector<16xf32> to vector<1xf32>
      %squeeze3A_144 = vector.extract %slice3A_143[0] : f32 from vector<1xf32>
      %broadcast_in_dim3A_145 = vector.broadcast %squeeze3A_144 : f32 to vector<16xf32>
      %select_n3A_146 = arith.select %eq3A_142, %broadcast_in_dim3A_145, %select_n3A_139 : vector<16xi1>, vector<16xf32>
      %slice3A_147 = vector.extract_strided_slice %get3A_48 {offsets = [3], sizes = [1], strides = [1]} : vector<16xf32> to vector<1xf32>
      %squeeze3A_148 = vector.extract %slice3A_147[0] : f32 from vector<1xf32>
      %broadcast_in_dim3A_149 = vector.broadcast %squeeze3A_148 : f32 to vector<16xf32>
      %eq3A_150 = arith.constant 1 : i32
      %eq3A_151 = vector.broadcast %eq3A_150 : i32 to vector<16xi32>
      %eq3A_152 = arith.cmpi eq, %iota3A, %eq3A_151 : vector<16xi32>
      %slice3A_153 = vector.extract_strided_slice %get3A_48 {offsets = [8], sizes = [1], strides = [1]} : vector<16xf32> to vector<1xf32>
      %squeeze3A_154 = vector.extract %slice3A_153[0] : f32 from vector<1xf32>
      %broadcast_in_dim3A_155 = vector.broadcast %squeeze3A_154 : f32 to vector<16xf32>
      %select_n3A_156 = arith.select %eq3A_152, %broadcast_in_dim3A_155, %broadcast_in_dim3A_149 : vector<16xi1>, vector<16xf32>
      %eq3A_157 = arith.constant 2 : i32
      %eq3A_158 = vector.broadcast %eq3A_157 : i32 to vector<16xi32>
      %eq3A_159 = arith.cmpi eq, %iota3A, %eq3A_158 : vector<16xi32>
      %slice3A_160 = vector.extract_strided_slice %get3A_48 {offsets = [13], sizes = [1], strides = [1]} : vector<16xf32> to vector<1xf32>
      %squeeze3A_161 = vector.extract %slice3A_160[0] : f32 from vector<1xf32>
      %broadcast_in_dim3A_162 = vector.broadcast %squeeze3A_161 : f32 to vector<16xf32>
      %select_n3A_163 = arith.select %eq3A_159, %broadcast_in_dim3A_162, %select_n3A_156 : vector<16xi1>, vector<16xf32>
      %eq3A_164 = arith.constant 3 : i32
      %eq3A_165 = vector.broadcast %eq3A_164 : i32 to vector<16xi32>
      %eq3A_166 = arith.cmpi eq, %iota3A, %eq3A_165 : vector<16xi32>
      %slice3A_167 = vector.extract_strided_slice %get3A_51 {offsets = [9], sizes = [1], strides = [1]} : vector<16xf32> to vector<1xf32>
      %squeeze3A_168 = vector.extract %slice3A_167[0] : f32 from vector<1xf32>
      %broadcast_in_dim3A_169 = vector.broadcast %squeeze3A_168 : f32 to vector<16xf32>
      %select_n3A_170 = arith.select %eq3A_166, %broadcast_in_dim3A_169, %select_n3A_163 : vector<16xi1>, vector<16xf32>
      %eq3A_171 = arith.constant 4 : i32
      %eq3A_172 = vector.broadcast %eq3A_171 : i32 to vector<16xi32>
      %eq3A_173 = arith.cmpi eq, %iota3A, %eq3A_172 : vector<16xi32>
      %slice3A_174 = vector.extract_strided_slice %get3A_51 {offsets = [14], sizes = [1], strides = [1]} : vector<16xf32> to vector<1xf32>
      %squeeze3A_175 = vector.extract %slice3A_174[0] : f32 from vector<1xf32>
      %broadcast_in_dim3A_176 = vector.broadcast %squeeze3A_175 : f32 to vector<16xf32>
      %select_n3A_177 = arith.select %eq3A_173, %broadcast_in_dim3A_176, %select_n3A_170 : vector<16xi1>, vector<16xf32>
      %slice3A_178 = vector.extract_strided_slice %get3A_48 {offsets = [4], sizes = [1], strides = [1]} : vector<16xf32> to vector<1xf32>
      %squeeze3A_179 = vector.extract %slice3A_178[0] : f32 from vector<1xf32>
      %broadcast_in_dim3A_180 = vector.broadcast %squeeze3A_179 : f32 to vector<16xf32>
      %eq3A_181 = arith.constant 1 : i32
      %eq3A_182 = vector.broadcast %eq3A_181 : i32 to vector<16xi32>
      %eq3A_183 = arith.cmpi eq, %iota3A, %eq3A_182 : vector<16xi32>
      %slice3A_184 = vector.extract_strided_slice %get3A_48 {offsets = [9], sizes = [1], strides = [1]} : vector<16xf32> to vector<1xf32>
      %squeeze3A_185 = vector.extract %slice3A_184[0] : f32 from vector<1xf32>
      %broadcast_in_dim3A_186 = vector.broadcast %squeeze3A_185 : f32 to vector<16xf32>
      %select_n3A_187 = arith.select %eq3A_183, %broadcast_in_dim3A_186, %broadcast_in_dim3A_180 : vector<16xi1>, vector<16xf32>
      %eq3A_188 = arith.constant 2 : i32
      %eq3A_189 = vector.broadcast %eq3A_188 : i32 to vector<16xi32>
      %eq3A_190 = arith.cmpi eq, %iota3A, %eq3A_189 : vector<16xi32>
      %slice3A_191 = vector.extract_strided_slice %get3A_48 {offsets = [14], sizes = [1], strides = [1]} : vector<16xf32> to vector<1xf32>
      %squeeze3A_192 = vector.extract %slice3A_191[0] : f32 from vector<1xf32>
      %broadcast_in_dim3A_193 = vector.broadcast %squeeze3A_192 : f32 to vector<16xf32>
      %select_n3A_194 = arith.select %eq3A_190, %broadcast_in_dim3A_193, %select_n3A_187 : vector<16xi1>, vector<16xf32>
      %eq3A_195 = arith.constant 3 : i32
      %eq3A_196 = vector.broadcast %eq3A_195 : i32 to vector<16xi32>
      %eq3A_197 = arith.cmpi eq, %iota3A, %eq3A_196 : vector<16xi32>
      %slice3A_198 = vector.extract_strided_slice %get3A_51 {offsets = [10], sizes = [1], strides = [1]} : vector<16xf32> to vector<1xf32>
      %squeeze3A_199 = vector.extract %slice3A_198[0] : f32 from vector<1xf32>
      %broadcast_in_dim3A_200 = vector.broadcast %squeeze3A_199 : f32 to vector<16xf32>
      %select_n3A_201 = arith.select %eq3A_197, %broadcast_in_dim3A_200, %select_n3A_194 : vector<16xi1>, vector<16xf32>
      %eq3A_202 = arith.constant 4 : i32
      %eq3A_203 = vector.broadcast %eq3A_202 : i32 to vector<16xi32>
      %eq3A_204 = arith.cmpi eq, %iota3A, %eq3A_203 : vector<16xi32>
      %slice3A_205 = vector.extract_strided_slice %get3A_51 {offsets = [15], sizes = [1], strides = [1]} : vector<16xf32> to vector<1xf32>
      %squeeze3A_206 = vector.extract %slice3A_205[0] : f32 from vector<1xf32>
      %broadcast_in_dim3A_207 = vector.broadcast %squeeze3A_206 : f32 to vector<16xf32>
      %select_n3A_208 = arith.select %eq3A_204, %broadcast_in_dim3A_207, %select_n3A_201 : vector<16xi1>, vector<16xf32>
      %add3A_209 = arith.constant 4 : i32
      %add3A_210 = vector.broadcast %add3A_209 : i32 to vector<16xi32>
      %add3A_211 = arith.addi %iota3A, %add3A_210 : vector<16xi32>
      %slice3A_212 = vector.extract_strided_slice %get3A_42 {offsets = [0], sizes = [1], strides = [1]} : vector<16xf32> to vector<1xf32>
      %squeeze3A_213 = vector.extract %slice3A_212[0] : f32 from vector<1xf32>
      %broadcast_in_dim3A_214 = vector.broadcast %squeeze3A_213 : f32 to vector<16xf32>
      %mul3A_215 = arith.mulf %broadcast_in_dim3A_214, %select_n3A_84 : vector<16xf32>
      %add3A_216 = arith.addf %get3A_54, %mul3A_215 : vector<16xf32>
      %slice3A_217 = vector.extract_strided_slice %get3A_42 {offsets = [1], sizes = [1], strides = [1]} : vector<16xf32> to vector<1xf32>
      %squeeze3A_218 = vector.extract %slice3A_217[0] : f32 from vector<1xf32>
      %broadcast_in_dim3A_219 = vector.broadcast %squeeze3A_218 : f32 to vector<16xf32>
      %mul3A_220 = arith.mulf %broadcast_in_dim3A_219, %select_n3A_115 : vector<16xf32>
      %add3A_221 = arith.addf %add3A_216, %mul3A_220 : vector<16xf32>
      %slice3A_222 = vector.extract_strided_slice %get3A_42 {offsets = [2], sizes = [1], strides = [1]} : vector<16xf32> to vector<1xf32>
      %squeeze3A_223 = vector.extract %slice3A_222[0] : f32 from vector<1xf32>
      %broadcast_in_dim3A_224 = vector.broadcast %squeeze3A_223 : f32 to vector<16xf32>
      %mul3A_225 = arith.mulf %broadcast_in_dim3A_224, %select_n3A_146 : vector<16xf32>
      %add3A_226 = arith.addf %add3A_221, %mul3A_225 : vector<16xf32>
      %slice3A_227 = vector.extract_strided_slice %get3A_42 {offsets = [3], sizes = [1], strides = [1]} : vector<16xf32> to vector<1xf32>
      %squeeze3A_228 = vector.extract %slice3A_227[0] : f32 from vector<1xf32>
      %broadcast_in_dim3A_229 = vector.broadcast %squeeze3A_228 : f32 to vector<16xf32>
      %mul3A_230 = arith.mulf %broadcast_in_dim3A_229, %select_n3A_177 : vector<16xf32>
      %add3A_231 = arith.addf %add3A_226, %mul3A_230 : vector<16xf32>
      %slice3A_232 = vector.extract_strided_slice %get3A_42 {offsets = [4], sizes = [1], strides = [1]} : vector<16xf32> to vector<1xf32>
      %squeeze3A_233 = vector.extract %slice3A_232[0] : f32 from vector<1xf32>
      %broadcast_in_dim3A_234 = vector.broadcast %squeeze3A_233 : f32 to vector<16xf32>
      %mul3A_235 = arith.mulf %broadcast_in_dim3A_234, %select_n3A_208 : vector<16xf32>
      %add3A_236 = arith.addf %add3A_231, %mul3A_235 : vector<16xf32>
      %get3A_237 = arith.constant 0 : index
      %get3A_238 = tpu.vector_load %arg12[%get3A_237] {strides = array<i32>} : memref<104xf32, #tpu.memory_space<vmem>>, vector<16xf32>,
      %get3A_239 = vector.shape_cast %get3A_238 : vector<16xf32> to vector<16xf32>
      %get3A_240 = arith.constant 4 : index
      %get3A_241 = tpu.vector_load %arg12[%get3A_240] {strides = array<i32>} : memref<104xf32, #tpu.memory_space<vmem>>, vector<16xf32>,
      %get3A_242 = vector.shape_cast %get3A_241 : vector<16xf32> to vector<16xf32>
      %slice3A_243 = vector.extract_strided_slice %get3A_57 {offsets = [0], sizes = [1], strides = [1]} : vector<16xi32> to vector<1xi32>
      %squeeze3A_244 = vector.extract %slice3A_243[0] : i32 from vector<1xi32>
      %broadcast_in_dim3A_245 = vector.broadcast %squeeze3A_244 : i32 to vector<16xi32>
      %slice3A_246 = vector.extract_strided_slice %add3A_236 {offsets = [0], sizes = [1], strides = [1]} : vector<16xf32> to vector<1xf32>
      %squeeze3A_247 = vector.extract %slice3A_246[0] : f32 from vector<1xf32>
      %broadcast_in_dim3A_248 = vector.broadcast %squeeze3A_247 : f32 to vector<16xf32>
      %eq3A_249 = arith.cmpi eq, %iota3A, %broadcast_in_dim3A_245 : vector<16xi32>
      %select_n3A_250 = arith.select %eq3A_249, %broadcast_in_dim3A_248, %get3A_239 : vector<16xi1>, vector<16xf32>
      %eq3A_251 = arith.cmpi eq, %add3A_211, %broadcast_in_dim3A_245 : vector<16xi32>
      %select_n3A_252 = arith.select %eq3A_251, %broadcast_in_dim3A_248, %get3A_242 : vector<16xi1>, vector<16xf32>
      %slice3A_253 = vector.extract_strided_slice %get3A_57 {offsets = [1], sizes = [1], strides = [1]} : vector<16xi32> to vector<1xi32>
      %squeeze3A_254 = vector.extract %slice3A_253[0] : i32 from vector<1xi32>
      %broadcast_in_dim3A_255 = vector.broadcast %squeeze3A_254 : i32 to vector<16xi32>
      %slice3A_256 = vector.extract_strided_slice %add3A_236 {offsets = [1], sizes = [1], strides = [1]} : vector<16xf32> to vector<1xf32>
      %squeeze3A_257 = vector.extract %slice3A_256[0] : f32 from vector<1xf32>
      %broadcast_in_dim3A_258 = vector.broadcast %squeeze3A_257 : f32 to vector<16xf32>
      %eq3A_259 = arith.cmpi eq, %iota3A, %broadcast_in_dim3A_255 : vector<16xi32>
      %select_n3A_260 = arith.select %eq3A_259, %broadcast_in_dim3A_258, %select_n3A_250 : vector<16xi1>, vector<16xf32>
      %eq3A_261 = arith.cmpi eq, %add3A_211, %broadcast_in_dim3A_255 : vector<16xi32>
      %select_n3A_262 = arith.select %eq3A_261, %broadcast_in_dim3A_258, %select_n3A_252 : vector<16xi1>, vector<16xf32>
      %slice3A_263 = vector.extract_strided_slice %get3A_57 {offsets = [2], sizes = [1], strides = [1]} : vector<16xi32> to vector<1xi32>
      %squeeze3A_264 = vector.extract %slice3A_263[0] : i32 from vector<1xi32>
      %broadcast_in_dim3A_265 = vector.broadcast %squeeze3A_264 : i32 to vector<16xi32>
      %slice3A_266 = vector.extract_strided_slice %add3A_236 {offsets = [2], sizes = [1], strides = [1]} : vector<16xf32> to vector<1xf32>
      %squeeze3A_267 = vector.extract %slice3A_266[0] : f32 from vector<1xf32>
      %broadcast_in_dim3A_268 = vector.broadcast %squeeze3A_267 : f32 to vector<16xf32>
      %eq3A_269 = arith.cmpi eq, %iota3A, %broadcast_in_dim3A_265 : vector<16xi32>
      %select_n3A_270 = arith.select %eq3A_269, %broadcast_in_dim3A_268, %select_n3A_260 : vector<16xi1>, vector<16xf32>
      %eq3A_271 = arith.cmpi eq, %add3A_211, %broadcast_in_dim3A_265 : vector<16xi32>
      %select_n3A_272 = arith.select %eq3A_271, %broadcast_in_dim3A_268, %select_n3A_262 : vector<16xi1>, vector<16xf32>
      %slice3A_273 = vector.extract_strided_slice %get3A_57 {offsets = [3], sizes = [1], strides = [1]} : vector<16xi32> to vector<1xi32>
      %squeeze3A_274 = vector.extract %slice3A_273[0] : i32 from vector<1xi32>
      %broadcast_in_dim3A_275 = vector.broadcast %squeeze3A_274 : i32 to vector<16xi32>
      %slice3A_276 = vector.extract_strided_slice %add3A_236 {offsets = [3], sizes = [1], strides = [1]} : vector<16xf32> to vector<1xf32>
      %squeeze3A_277 = vector.extract %slice3A_276[0] : f32 from vector<1xf32>
      %broadcast_in_dim3A_278 = vector.broadcast %squeeze3A_277 : f32 to vector<16xf32>
      %eq3A_279 = arith.cmpi eq, %iota3A, %broadcast_in_dim3A_275 : vector<16xi32>
      %select_n3A_280 = arith.select %eq3A_279, %broadcast_in_dim3A_278, %select_n3A_270 : vector<16xi1>, vector<16xf32>
      %eq3A_281 = arith.cmpi eq, %add3A_211, %broadcast_in_dim3A_275 : vector<16xi32>
      %select_n3A_282 = arith.select %eq3A_281, %broadcast_in_dim3A_278, %select_n3A_272 : vector<16xi1>, vector<16xf32>
      %slice3A_283 = vector.extract_strided_slice %get3A_57 {offsets = [4], sizes = [1], strides = [1]} : vector<16xi32> to vector<1xi32>
      %squeeze3A_284 = vector.extract %slice3A_283[0] : i32 from vector<1xi32>
      %broadcast_in_dim3A_285 = vector.broadcast %squeeze3A_284 : i32 to vector<16xi32>
      %slice3A_286 = vector.extract_strided_slice %add3A_236 {offsets = [4], sizes = [1], strides = [1]} : vector<16xf32> to vector<1xf32>
      %squeeze3A_287 = vector.extract %slice3A_286[0] : f32 from vector<1xf32>
      %broadcast_in_dim3A_288 = vector.broadcast %squeeze3A_287 : f32 to vector<16xf32>
      %eq3A_289 = arith.cmpi eq, %iota3A, %broadcast_in_dim3A_285 : vector<16xi32>
      %select_n3A_290 = arith.select %eq3A_289, %broadcast_in_dim3A_288, %select_n3A_280 : vector<16xi1>, vector<16xf32>
      %eq3A_291 = arith.cmpi eq, %add3A_211, %broadcast_in_dim3A_285 : vector<16xi32>
      %select_n3A_292 = arith.select %eq3A_291, %broadcast_in_dim3A_288, %select_n3A_282 : vector<16xi1>, vector<16xf32>
      %swap3A = arith.constant 0 : index
      %swap3A_293 = tpu.vector_load %arg13[%swap3A] {strides = array<i32>} : memref<104xf32, #tpu.memory_space<vmem>>, vector<16xf32>,
      %swap3A_294 = vector.shape_cast %swap3A_293 : vector<16xf32> to vector<16xf32>
      %swap3A_295 = vector.shape_cast %select_n3A_290 : vector<16xf32> to vector<16xf32>
      tpu.vector_store %arg13[%swap3A], %swap3A_295 {strides = array<i32>} : memref<104xf32, #tpu.memory_space<vmem>>, vector<16xf32>,
      %swap3A_296 = arith.constant 4 : index
      %swap3A_297 = tpu.vector_load %arg13[%swap3A_296] {strides = array<i32>} : memref<104xf32, #tpu.memory_space<vmem>>, vector<16xf32>,
      %swap3A_298 = vector.shape_cast %swap3A_297 : vector<16xf32> to vector<16xf32>
      %swap3A_299 = vector.shape_cast %select_n3A_292 : vector<16xf32> to vector<16xf32>
      tpu.vector_store %arg13[%swap3A_296], %swap3A_299 {strides = array<i32>} : memref<104xf32, #tpu.memory_space<vmem>>, vector<16xf32>,
      %slice3A_300 = vector.extract_strided_slice %get3A_42 {offsets = [5], sizes = [1], strides = [1]} : vector<16xf32> to vector<1xf32>
      %squeeze3A_301 = vector.extract %slice3A_300[0] : f32 from vector<1xf32>
      %broadcast_in_dim3A_302 = vector.broadcast %squeeze3A_301 : f32 to vector<16xf32>
      %mul3A_303 = arith.mulf %broadcast_in_dim3A_302, %select_n3A_84 : vector<16xf32>
      %add3A_304 = arith.addf %get3A_54, %mul3A_303 : vector<16xf32>
      %slice3A_305 = vector.extract_strided_slice %get3A_42 {offsets = [6], sizes = [1], strides = [1]} : vector<16xf32> to vector<1xf32>
      %squeeze3A_306 = vector.extract %slice3A_305[0] : f32 from vector<1xf32>
      %broadcast_in_dim3A_307 = vector.broadcast %squeeze3A_306 : f32 to vector<16xf32>
      %mul3A_308 = arith.mulf %broadcast_in_dim3A_307, %select_n3A_115 : vector<16xf32>
      %add3A_309 = arith.addf %add3A_304, %mul3A_308 : vector<16xf32>
      %slice3A_310 = vector.extract_strided_slice %get3A_42 {offsets = [7], sizes = [1], strides = [1]} : vector<16xf32> to vector<1xf32>
      %squeeze3A_311 = vector.extract %slice3A_310[0] : f32 from vector<1xf32>
      %broadcast_in_dim3A_312 = vector.broadcast %squeeze3A_311 : f32 to vector<16xf32>
      %mul3A_313 = arith.mulf %broadcast_in_dim3A_312, %select_n3A_146 : vector<16xf32>
      %add3A_314 = arith.addf %add3A_309, %mul3A_313 : vector<16xf32>
      %slice3A_315 = vector.extract_strided_slice %get3A_42 {offsets = [8], sizes = [1], strides = [1]} : vector<16xf32> to vector<1xf32>
      %squeeze3A_316 = vector.extract %slice3A_315[0] : f32 from vector<1xf32>
      %broadcast_in_dim3A_317 = vector.broadcast %squeeze3A_316 : f32 to vector<16xf32>
      %mul3A_318 = arith.mulf %broadcast_in_dim3A_317, %select_n3A_177 : vector<16xf32>
      %add3A_319 = arith.addf %add3A_314, %mul3A_318 : vector<16xf32>
      %slice3A_320 = vector.extract_strided_slice %get3A_42 {offsets = [9], sizes = [1], strides = [1]} : vector<16xf32> to vector<1xf32>
      %squeeze3A_321 = vector.extract %slice3A_320[0] : f32 from vector<1xf32>
      %broadcast_in_dim3A_322 = vector.broadcast %squeeze3A_321 : f32 to vector<16xf32>
      %mul3A_323 = arith.mulf %broadcast_in_dim3A_322, %select_n3A_208 : vector<16xf32>
      %add3A_324 = arith.addf %add3A_319, %mul3A_323 : vector<16xf32>
      %get3A_325 = arith.constant 20 : index
      %get3A_326 = tpu.vector_load %arg12[%get3A_325] {strides = array<i32>} : memref<104xf32, #tpu.memory_space<vmem>>, vector<16xf32>,
      %get3A_327 = vector.shape_cast %get3A_326 : vector<16xf32> to vector<16xf32>
      %get3A_328 = arith.constant 24 : index
      %get3A_329 = tpu.vector_load %arg12[%get3A_328] {strides = array<i32>} : memref<104xf32, #tpu.memory_space<vmem>>, vector<16xf32>,
      %get3A_330 = vector.shape_cast %get3A_329 : vector<16xf32> to vector<16xf32>
      %slice3A_331 = vector.extract_strided_slice %get3A_57 {offsets = [0], sizes = [1], strides = [1]} : vector<16xi32> to vector<1xi32>
      %squeeze3A_332 = vector.extract %slice3A_331[0] : i32 from vector<1xi32>
      %broadcast_in_dim3A_333 = vector.broadcast %squeeze3A_332 : i32 to vector<16xi32>
      %slice3A_334 = vector.extract_strided_slice %add3A_324 {offsets = [0], sizes = [1], strides = [1]} : vector<16xf32> to vector<1xf32>
      %squeeze3A_335 = vector.extract %slice3A_334[0] : f32 from vector<1xf32>
      %broadcast_in_dim3A_336 = vector.broadcast %squeeze3A_335 : f32 to vector<16xf32>
      %eq3A_337 = arith.cmpi eq, %iota3A, %broadcast_in_dim3A_333 : vector<16xi32>
      %select_n3A_338 = arith.select %eq3A_337, %broadcast_in_dim3A_336, %get3A_327 : vector<16xi1>, vector<16xf32>
      %eq3A_339 = arith.cmpi eq, %add3A_211, %broadcast_in_dim3A_333 : vector<16xi32>
      %select_n3A_340 = arith.select %eq3A_339, %broadcast_in_dim3A_336, %get3A_330 : vector<16xi1>, vector<16xf32>
      %slice3A_341 = vector.extract_strided_slice %get3A_57 {offsets = [1], sizes = [1], strides = [1]} : vector<16xi32> to vector<1xi32>
      %squeeze3A_342 = vector.extract %slice3A_341[0] : i32 from vector<1xi32>
      %broadcast_in_dim3A_343 = vector.broadcast %squeeze3A_342 : i32 to vector<16xi32>
      %slice3A_344 = vector.extract_strided_slice %add3A_324 {offsets = [1], sizes = [1], strides = [1]} : vector<16xf32> to vector<1xf32>
      %squeeze3A_345 = vector.extract %slice3A_344[0] : f32 from vector<1xf32>
      %broadcast_in_dim3A_346 = vector.broadcast %squeeze3A_345 : f32 to vector<16xf32>
      %eq3A_347 = arith.cmpi eq, %iota3A, %broadcast_in_dim3A_343 : vector<16xi32>
      %select_n3A_348 = arith.select %eq3A_347, %broadcast_in_dim3A_346, %select_n3A_338 : vector<16xi1>, vector<16xf32>
      %eq3A_349 = arith.cmpi eq, %add3A_211, %broadcast_in_dim3A_343 : vector<16xi32>
      %select_n3A_350 = arith.select %eq3A_349, %broadcast_in_dim3A_346, %select_n3A_340 : vector<16xi1>, vector<16xf32>
      %slice3A_351 = vector.extract_strided_slice %get3A_57 {offsets = [2], sizes = [1], strides = [1]} : vector<16xi32> to vector<1xi32>
      %squeeze3A_352 = vector.extract %slice3A_351[0] : i32 from vector<1xi32>
      %broadcast_in_dim3A_353 = vector.broadcast %squeeze3A_352 : i32 to vector<16xi32>
      %slice3A_354 = vector.extract_strided_slice %add3A_324 {offsets = [2], sizes = [1], strides = [1]} : vector<16xf32> to vector<1xf32>
      %squeeze3A_355 = vector.extract %slice3A_354[0] : f32 from vector<1xf32>
      %broadcast_in_dim3A_356 = vector.broadcast %squeeze3A_355 : f32 to vector<16xf32>
      %eq3A_357 = arith.cmpi eq, %iota3A, %broadcast_in_dim3A_353 : vector<16xi32>
      %select_n3A_358 = arith.select %eq3A_357, %broadcast_in_dim3A_356, %select_n3A_348 : vector<16xi1>, vector<16xf32>
      %eq3A_359 = arith.cmpi eq, %add3A_211, %broadcast_in_dim3A_353 : vector<16xi32>
      %select_n3A_360 = arith.select %eq3A_359, %broadcast_in_dim3A_356, %select_n3A_350 : vector<16xi1>, vector<16xf32>
      %slice3A_361 = vector.extract_strided_slice %get3A_57 {offsets = [3], sizes = [1], strides = [1]} : vector<16xi32> to vector<1xi32>
      %squeeze3A_362 = vector.extract %slice3A_361[0] : i32 from vector<1xi32>
      %broadcast_in_dim3A_363 = vector.broadcast %squeeze3A_362 : i32 to vector<16xi32>
      %slice3A_364 = vector.extract_strided_slice %add3A_324 {offsets = [3], sizes = [1], strides = [1]} : vector<16xf32> to vector<1xf32>
      %squeeze3A_365 = vector.extract %slice3A_364[0] : f32 from vector<1xf32>
      %broadcast_in_dim3A_366 = vector.broadcast %squeeze3A_365 : f32 to vector<16xf32>
      %eq3A_367 = arith.cmpi eq, %iota3A, %broadcast_in_dim3A_363 : vector<16xi32>
      %select_n3A_368 = arith.select %eq3A_367, %broadcast_in_dim3A_366, %select_n3A_358 : vector<16xi1>, vector<16xf32>
      %eq3A_369 = arith.cmpi eq, %add3A_211, %broadcast_in_dim3A_363 : vector<16xi32>
      %select_n3A_370 = arith.select %eq3A_369, %broadcast_in_dim3A_366, %select_n3A_360 : vector<16xi1>, vector<16xf32>
      %slice3A_371 = vector.extract_strided_slice %get3A_57 {offsets = [4], sizes = [1], strides = [1]} : vector<16xi32> to vector<1xi32>
      %squeeze3A_372 = vector.extract %slice3A_371[0] : i32 from vector<1xi32>
      %broadcast_in_dim3A_373 = vector.broadcast %squeeze3A_372 : i32 to vector<16xi32>
      %slice3A_374 = vector.extract_strided_slice %add3A_324 {offsets = [4], sizes = [1], strides = [1]} : vector<16xf32> to vector<1xf32>
      %squeeze3A_375 = vector.extract %slice3A_374[0] : f32 from vector<1xf32>
      %broadcast_in_dim3A_376 = vector.broadcast %squeeze3A_375 : f32 to vector<16xf32>
      %eq3A_377 = arith.cmpi eq, %iota3A, %broadcast_in_dim3A_373 : vector<16xi32>
      %select_n3A_378 = arith.select %eq3A_377, %broadcast_in_dim3A_376, %select_n3A_368 : vector<16xi1>, vector<16xf32>
      %eq3A_379 = arith.cmpi eq, %add3A_211, %broadcast_in_dim3A_373 : vector<16xi32>
      %select_n3A_380 = arith.select %eq3A_379, %broadcast_in_dim3A_376, %select_n3A_370 : vector<16xi1>, vector<16xf32>
      %swap3A_381 = arith.constant 20 : index
      %swap3A_382 = tpu.vector_load %arg13[%swap3A_381] {strides = array<i32>} : memref<104xf32, #tpu.memory_space<vmem>>, vector<16xf32>,
      %swap3A_383 = vector.shape_cast %swap3A_382 : vector<16xf32> to vector<16xf32>
      %swap3A_384 = vector.shape_cast %select_n3A_378 : vector<16xf32> to vector<16xf32>
      tpu.vector_store %arg13[%swap3A_381], %swap3A_384 {strides = array<i32>} : memref<104xf32, #tpu.memory_space<vmem>>, vector<16xf32>,
      %swap3A_385 = arith.constant 24 : index
      %swap3A_386 = tpu.vector_load %arg13[%swap3A_385] {strides = array<i32>} : memref<104xf32, #tpu.memory_space<vmem>>, vector<16xf32>,
      %swap3A_387 = vector.shape_cast %swap3A_386 : vector<16xf32> to vector<16xf32>
      %swap3A_388 = vector.shape_cast %select_n3A_380 : vector<16xf32> to vector<16xf32>
      tpu.vector_store %arg13[%swap3A_385], %swap3A_388 {strides = array<i32>} : memref<104xf32, #tpu.memory_space<vmem>>, vector<16xf32>,
      %slice3A_389 = vector.extract_strided_slice %get3A_42 {offsets = [10], sizes = [1], strides = [1]} : vector<16xf32> to vector<1xf32>
      %squeeze3A_390 = vector.extract %slice3A_389[0] : f32 from vector<1xf32>
      %broadcast_in_dim3A_391 = vector.broadcast %squeeze3A_390 : f32 to vector<16xf32>
      %mul3A_392 = arith.mulf %broadcast_in_dim3A_391, %select_n3A_84 : vector<16xf32>
      %add3A_393 = arith.addf %get3A_54, %mul3A_392 : vector<16xf32>
      %slice3A_394 = vector.extract_strided_slice %get3A_42 {offsets = [11], sizes = [1], strides = [1]} : vector<16xf32> to vector<1xf32>
      %squeeze3A_395 = vector.extract %slice3A_394[0] : f32 from vector<1xf32>
      %broadcast_in_dim3A_396 = vector.broadcast %squeeze3A_395 : f32 to vector<16xf32>
      %mul3A_397 = arith.mulf %broadcast_in_dim3A_396, %select_n3A_115 : vector<16xf32>
      %add3A_398 = arith.addf %add3A_393, %mul3A_397 : vector<16xf32>
      %slice3A_399 = vector.extract_strided_slice %get3A_42 {offsets = [12], sizes = [1], strides = [1]} : vector<16xf32> to vector<1xf32>
      %squeeze3A_400 = vector.extract %slice3A_399[0] : f32 from vector<1xf32>
      %broadcast_in_dim3A_401 = vector.broadcast %squeeze3A_400 : f32 to vector<16xf32>
      %mul3A_402 = arith.mulf %broadcast_in_dim3A_401, %select_n3A_146 : vector<16xf32>
      %add3A_403 = arith.addf %add3A_398, %mul3A_402 : vector<16xf32>
      %slice3A_404 = vector.extract_strided_slice %get3A_42 {offsets = [13], sizes = [1], strides = [1]} : vector<16xf32> to vector<1xf32>
      %squeeze3A_405 = vector.extract %slice3A_404[0] : f32 from vector<1xf32>
      %broadcast_in_dim3A_406 = vector.broadcast %squeeze3A_405 : f32 to vector<16xf32>
      %mul3A_407 = arith.mulf %broadcast_in_dim3A_406, %select_n3A_177 : vector<16xf32>
      %add3A_408 = arith.addf %add3A_403, %mul3A_407 : vector<16xf32>
      %slice3A_409 = vector.extract_strided_slice %get3A_42 {offsets = [14], sizes = [1], strides = [1]} : vector<16xf32> to vector<1xf32>
      %squeeze3A_410 = vector.extract %slice3A_409[0] : f32 from vector<1xf32>
      %broadcast_in_dim3A_411 = vector.broadcast %squeeze3A_410 : f32 to vector<16xf32>
      %mul3A_412 = arith.mulf %broadcast_in_dim3A_411, %select_n3A_208 : vector<16xf32>
      %add3A_413 = arith.addf %add3A_408, %mul3A_412 : vector<16xf32>
      %get3A_414 = arith.constant 40 : index
      %get3A_415 = tpu.vector_load %arg12[%get3A_414] {strides = array<i32>} : memref<104xf32, #tpu.memory_space<vmem>>, vector<16xf32>,
      %get3A_416 = vector.shape_cast %get3A_415 : vector<16xf32> to vector<16xf32>
      %get3A_417 = arith.constant 44 : index
      %get3A_418 = tpu.vector_load %arg12[%get3A_417] {strides = array<i32>} : memref<104xf32, #tpu.memory_space<vmem>>, vector<16xf32>,
      %get3A_419 = vector.shape_cast %get3A_418 : vector<16xf32> to vector<16xf32>
      %slice3A_420 = vector.extract_strided_slice %get3A_57 {offsets = [0], sizes = [1], strides = [1]} : vector<16xi32> to vector<1xi32>
      %squeeze3A_421 = vector.extract %slice3A_420[0] : i32 from vector<1xi32>
      %broadcast_in_dim3A_422 = vector.broadcast %squeeze3A_421 : i32 to vector<16xi32>
      %slice3A_423 = vector.extract_strided_slice %add3A_413 {offsets = [0], sizes = [1], strides = [1]} : vector<16xf32> to vector<1xf32>
      %squeeze3A_424 = vector.extract %slice3A_423[0] : f32 from vector<1xf32>
      %broadcast_in_dim3A_425 = vector.broadcast %squeeze3A_424 : f32 to vector<16xf32>
      %eq3A_426 = arith.cmpi eq, %iota3A, %broadcast_in_dim3A_422 : vector<16xi32>
      %select_n3A_427 = arith.select %eq3A_426, %broadcast_in_dim3A_425, %get3A_416 : vector<16xi1>, vector<16xf32>
      %eq3A_428 = arith.cmpi eq, %add3A_211, %broadcast_in_dim3A_422 : vector<16xi32>
      %select_n3A_429 = arith.select %eq3A_428, %broadcast_in_dim3A_425, %get3A_419 : vector<16xi1>, vector<16xf32>
      %slice3A_430 = vector.extract_strided_slice %get3A_57 {offsets = [1], sizes = [1], strides = [1]} : vector<16xi32> to vector<1xi32>
      %squeeze3A_431 = vector.extract %slice3A_430[0] : i32 from vector<1xi32>
      %broadcast_in_dim3A_432 = vector.broadcast %squeeze3A_431 : i32 to vector<16xi32>
      %slice3A_433 = vector.extract_strided_slice %add3A_413 {offsets = [1], sizes = [1], strides = [1]} : vector<16xf32> to vector<1xf32>
      %squeeze3A_434 = vector.extract %slice3A_433[0] : f32 from vector<1xf32>
      %broadcast_in_dim3A_435 = vector.broadcast %squeeze3A_434 : f32 to vector<16xf32>
      %eq3A_436 = arith.cmpi eq, %iota3A, %broadcast_in_dim3A_432 : vector<16xi32>
      %select_n3A_437 = arith.select %eq3A_436, %broadcast_in_dim3A_435, %select_n3A_427 : vector<16xi1>, vector<16xf32>
      %eq3A_438 = arith.cmpi eq, %add3A_211, %broadcast_in_dim3A_432 : vector<16xi32>
      %select_n3A_439 = arith.select %eq3A_438, %broadcast_in_dim3A_435, %select_n3A_429 : vector<16xi1>, vector<16xf32>
      %slice3A_440 = vector.extract_strided_slice %get3A_57 {offsets = [2], sizes = [1], strides = [1]} : vector<16xi32> to vector<1xi32>
      %squeeze3A_441 = vector.extract %slice3A_440[0] : i32 from vector<1xi32>
      %broadcast_in_dim3A_442 = vector.broadcast %squeeze3A_441 : i32 to vector<16xi32>
      %slice3A_443 = vector.extract_strided_slice %add3A_413 {offsets = [2], sizes = [1], strides = [1]} : vector<16xf32> to vector<1xf32>
      %squeeze3A_444 = vector.extract %slice3A_443[0] : f32 from vector<1xf32>
      %broadcast_in_dim3A_445 = vector.broadcast %squeeze3A_444 : f32 to vector<16xf32>
      %eq3A_446 = arith.cmpi eq, %iota3A, %broadcast_in_dim3A_442 : vector<16xi32>
      %select_n3A_447 = arith.select %eq3A_446, %broadcast_in_dim3A_445, %select_n3A_437 : vector<16xi1>, vector<16xf32>
      %eq3A_448 = arith.cmpi eq, %add3A_211, %broadcast_in_dim3A_442 : vector<16xi32>
      %select_n3A_449 = arith.select %eq3A_448, %broadcast_in_dim3A_445, %select_n3A_439 : vector<16xi1>, vector<16xf32>
      %slice3A_450 = vector.extract_strided_slice %get3A_57 {offsets = [3], sizes = [1], strides = [1]} : vector<16xi32> to vector<1xi32>
      %squeeze3A_451 = vector.extract %slice3A_450[0] : i32 from vector<1xi32>
      %broadcast_in_dim3A_452 = vector.broadcast %squeeze3A_451 : i32 to vector<16xi32>
      %slice3A_453 = vector.extract_strided_slice %add3A_413 {offsets = [3], sizes = [1], strides = [1]} : vector<16xf32> to vector<1xf32>
      %squeeze3A_454 = vector.extract %slice3A_453[0] : f32 from vector<1xf32>
      %broadcast_in_dim3A_455 = vector.broadcast %squeeze3A_454 : f32 to vector<16xf32>
      %eq3A_456 = arith.cmpi eq, %iota3A, %broadcast_in_dim3A_452 : vector<16xi32>
      %select_n3A_457 = arith.select %eq3A_456, %broadcast_in_dim3A_455, %select_n3A_447 : vector<16xi1>, vector<16xf32>
      %eq3A_458 = arith.cmpi eq, %add3A_211, %broadcast_in_dim3A_452 : vector<16xi32>
      %select_n3A_459 = arith.select %eq3A_458, %broadcast_in_dim3A_455, %select_n3A_449 : vector<16xi1>, vector<16xf32>
      %slice3A_460 = vector.extract_strided_slice %get3A_57 {offsets = [4], sizes = [1], strides = [1]} : vector<16xi32> to vector<1xi32>
      %squeeze3A_461 = vector.extract %slice3A_460[0] : i32 from vector<1xi32>
      %broadcast_in_dim3A_462 = vector.broadcast %squeeze3A_461 : i32 to vector<16xi32>
      %slice3A_463 = vector.extract_strided_slice %add3A_413 {offsets = [4], sizes = [1], strides = [1]} : vector<16xf32> to vector<1xf32>
      %squeeze3A_464 = vector.extract %slice3A_463[0] : f32 from vector<1xf32>
      %broadcast_in_dim3A_465 = vector.broadcast %squeeze3A_464 : f32 to vector<16xf32>
      %eq3A_466 = arith.cmpi eq, %iota3A, %broadcast_in_dim3A_462 : vector<16xi32>
      %select_n3A_467 = arith.select %eq3A_466, %broadcast_in_dim3A_465, %select_n3A_457 : vector<16xi1>, vector<16xf32>
      %eq3A_468 = arith.cmpi eq, %add3A_211, %broadcast_in_dim3A_462 : vector<16xi32>
      %select_n3A_469 = arith.select %eq3A_468, %broadcast_in_dim3A_465, %select_n3A_459 : vector<16xi1>, vector<16xf32>
      %swap3A_470 = arith.constant 40 : index
      %swap3A_471 = tpu.vector_load %arg13[%swap3A_470] {strides = array<i32>} : memref<104xf32, #tpu.memory_space<vmem>>, vector<16xf32>,
      %swap3A_472 = vector.shape_cast %swap3A_471 : vector<16xf32> to vector<16xf32>
      %swap3A_473 = vector.shape_cast %select_n3A_467 : vector<16xf32> to vector<16xf32>
      tpu.vector_store %arg13[%swap3A_470], %swap3A_473 {strides = array<i32>} : memref<104xf32, #tpu.memory_space<vmem>>, vector<16xf32>,
      %swap3A_474 = arith.constant 44 : index
      %swap3A_475 = tpu.vector_load %arg13[%swap3A_474] {strides = array<i32>} : memref<104xf32, #tpu.memory_space<vmem>>, vector<16xf32>,
      %swap3A_476 = vector.shape_cast %swap3A_475 : vector<16xf32> to vector<16xf32>
      %swap3A_477 = vector.shape_cast %select_n3A_469 : vector<16xf32> to vector<16xf32>
      tpu.vector_store %arg13[%swap3A_474], %swap3A_477 {strides = array<i32>} : memref<104xf32, #tpu.memory_space<vmem>>, vector<16xf32>,
      %slice3A_478 = vector.extract_strided_slice %get3A_42 {offsets = [15], sizes = [1], strides = [1]} : vector<16xf32> to vector<1xf32>
      %squeeze3A_479 = vector.extract %slice3A_478[0] : f32 from vector<1xf32>
      %broadcast_in_dim3A_480 = vector.broadcast %squeeze3A_479 : f32 to vector<16xf32>
      %mul3A_481 = arith.mulf %broadcast_in_dim3A_480, %select_n3A_84 : vector<16xf32>
      %add3A_482 = arith.addf %get3A_54, %mul3A_481 : vector<16xf32>
      %slice3A_483 = vector.extract_strided_slice %get3A_45 {offsets = [7], sizes = [1], strides = [1]} : vector<16xf32> to vector<1xf32>
      %squeeze3A_484 = vector.extract %slice3A_483[0] : f32 from vector<1xf32>
      %broadcast_in_dim3A_485 = vector.broadcast %squeeze3A_484 : f32 to vector<16xf32>
      %mul3A_486 = arith.mulf %broadcast_in_dim3A_485, %select_n3A_115 : vector<16xf32>
      %add3A_487 = arith.addf %add3A_482, %mul3A_486 : vector<16xf32>
      %slice3A_488 = vector.extract_strided_slice %get3A_45 {offsets = [8], sizes = [1], strides = [1]} : vector<16xf32> to vector<1xf32>
      %squeeze3A_489 = vector.extract %slice3A_488[0] : f32 from vector<1xf32>
      %broadcast_in_dim3A_490 = vector.broadcast %squeeze3A_489 : f32 to vector<16xf32>
      %mul3A_491 = arith.mulf %broadcast_in_dim3A_490, %select_n3A_146 : vector<16xf32>
      %add3A_492 = arith.addf %add3A_487, %mul3A_491 : vector<16xf32>
      %slice3A_493 = vector.extract_strided_slice %get3A_45 {offsets = [9], sizes = [1], strides = [1]} : vector<16xf32> to vector<1xf32>
      %squeeze3A_494 = vector.extract %slice3A_493[0] : f32 from vector<1xf32>
      %broadcast_in_dim3A_495 = vector.broadcast %squeeze3A_494 : f32 to vector<16xf32>
      %mul3A_496 = arith.mulf %broadcast_in_dim3A_495, %select_n3A_177 : vector<16xf32>
      %add3A_497 = arith.addf %add3A_492, %mul3A_496 : vector<16xf32>
      %slice3A_498 = vector.extract_strided_slice %get3A_45 {offsets = [10], sizes = [1], strides = [1]} : vector<16xf32> to vector<1xf32>
      %squeeze3A_499 = vector.extract %slice3A_498[0] : f32 from vector<1xf32>
      %broadcast_in_dim3A_500 = vector.broadcast %squeeze3A_499 : f32 to vector<16xf32>
      %mul3A_501 = arith.mulf %broadcast_in_dim3A_500, %select_n3A_208 : vector<16xf32>
      %add3A_502 = arith.addf %add3A_497, %mul3A_501 : vector<16xf32>
      %get3A_503 = arith.constant 60 : index
      %get3A_504 = tpu.vector_load %arg12[%get3A_503] {strides = array<i32>} : memref<104xf32, #tpu.memory_space<vmem>>, vector<16xf32>,
      %get3A_505 = vector.shape_cast %get3A_504 : vector<16xf32> to vector<16xf32>
      %get3A_506 = arith.constant 64 : index
      %get3A_507 = tpu.vector_load %arg12[%get3A_506] {strides = array<i32>} : memref<104xf32, #tpu.memory_space<vmem>>, vector<16xf32>,
      %get3A_508 = vector.shape_cast %get3A_507 : vector<16xf32> to vector<16xf32>
      %slice3A_509 = vector.extract_strided_slice %get3A_57 {offsets = [0], sizes = [1], strides = [1]} : vector<16xi32> to vector<1xi32>
      %squeeze3A_510 = vector.extract %slice3A_509[0] : i32 from vector<1xi32>
      %broadcast_in_dim3A_511 = vector.broadcast %squeeze3A_510 : i32 to vector<16xi32>
      %slice3A_512 = vector.extract_strided_slice %add3A_502 {offsets = [0], sizes = [1], strides = [1]} : vector<16xf32> to vector<1xf32>
      %squeeze3A_513 = vector.extract %slice3A_512[0] : f32 from vector<1xf32>
      %broadcast_in_dim3A_514 = vector.broadcast %squeeze3A_513 : f32 to vector<16xf32>
      %eq3A_515 = arith.cmpi eq, %iota3A, %broadcast_in_dim3A_511 : vector<16xi32>
      %select_n3A_516 = arith.select %eq3A_515, %broadcast_in_dim3A_514, %get3A_505 : vector<16xi1>, vector<16xf32>
      %eq3A_517 = arith.cmpi eq, %add3A_211, %broadcast_in_dim3A_511 : vector<16xi32>
      %select_n3A_518 = arith.select %eq3A_517, %broadcast_in_dim3A_514, %get3A_508 : vector<16xi1>, vector<16xf32>
      %slice3A_519 = vector.extract_strided_slice %get3A_57 {offsets = [1], sizes = [1], strides = [1]} : vector<16xi32> to vector<1xi32>
      %squeeze3A_520 = vector.extract %slice3A_519[0] : i32 from vector<1xi32>
      %broadcast_in_dim3A_521 = vector.broadcast %squeeze3A_520 : i32 to vector<16xi32>
      %slice3A_522 = vector.extract_strided_slice %add3A_502 {offsets = [1], sizes = [1], strides = [1]} : vector<16xf32> to vector<1xf32>
      %squeeze3A_523 = vector.extract %slice3A_522[0] : f32 from vector<1xf32>
      %broadcast_in_dim3A_524 = vector.broadcast %squeeze3A_523 : f32 to vector<16xf32>
      %eq3A_525 = arith.cmpi eq, %iota3A, %broadcast_in_dim3A_521 : vector<16xi32>
      %select_n3A_526 = arith.select %eq3A_525, %broadcast_in_dim3A_524, %select_n3A_516 : vector<16xi1>, vector<16xf32>
      %eq3A_527 = arith.cmpi eq, %add3A_211, %broadcast_in_dim3A_521 : vector<16xi32>
      %select_n3A_528 = arith.select %eq3A_527, %broadcast_in_dim3A_524, %select_n3A_518 : vector<16xi1>, vector<16xf32>
      %slice3A_529 = vector.extract_strided_slice %get3A_57 {offsets = [2], sizes = [1], strides = [1]} : vector<16xi32> to vector<1xi32>
      %squeeze3A_530 = vector.extract %slice3A_529[0] : i32 from vector<1xi32>
      %broadcast_in_dim3A_531 = vector.broadcast %squeeze3A_530 : i32 to vector<16xi32>
      %slice3A_532 = vector.extract_strided_slice %add3A_502 {offsets = [2], sizes = [1], strides = [1]} : vector<16xf32> to vector<1xf32>
      %squeeze3A_533 = vector.extract %slice3A_532[0] : f32 from vector<1xf32>
      %broadcast_in_dim3A_534 = vector.broadcast %squeeze3A_533 : f32 to vector<16xf32>
      %eq3A_535 = arith.cmpi eq, %iota3A, %broadcast_in_dim3A_531 : vector<16xi32>
      %select_n3A_536 = arith.select %eq3A_535, %broadcast_in_dim3A_534, %select_n3A_526 : vector<16xi1>, vector<16xf32>
      %eq3A_537 = arith.cmpi eq, %add3A_211, %broadcast_in_dim3A_531 : vector<16xi32>
      %select_n3A_538 = arith.select %eq3A_537, %broadcast_in_dim3A_534, %select_n3A_528 : vector<16xi1>, vector<16xf32>
      %slice3A_539 = vector.extract_strided_slice %get3A_57 {offsets = [3], sizes = [1], strides = [1]} : vector<16xi32> to vector<1xi32>
      %squeeze3A_540 = vector.extract %slice3A_539[0] : i32 from vector<1xi32>
      %broadcast_in_dim3A_541 = vector.broadcast %squeeze3A_540 : i32 to vector<16xi32>
      %slice3A_542 = vector.extract_strided_slice %add3A_502 {offsets = [3], sizes = [1], strides = [1]} : vector<16xf32> to vector<1xf32>
      %squeeze3A_543 = vector.extract %slice3A_542[0] : f32 from vector<1xf32>
      %broadcast_in_dim3A_544 = vector.broadcast %squeeze3A_543 : f32 to vector<16xf32>
      %eq3A_545 = arith.cmpi eq, %iota3A, %broadcast_in_dim3A_541 : vector<16xi32>
      %select_n3A_546 = arith.select %eq3A_545, %broadcast_in_dim3A_544, %select_n3A_536 : vector<16xi1>, vector<16xf32>
      %eq3A_547 = arith.cmpi eq, %add3A_211, %broadcast_in_dim3A_541 : vector<16xi32>
      %select_n3A_548 = arith.select %eq3A_547, %broadcast_in_dim3A_544, %select_n3A_538 : vector<16xi1>, vector<16xf32>
      %slice3A_549 = vector.extract_strided_slice %get3A_57 {offsets = [4], sizes = [1], strides = [1]} : vector<16xi32> to vector<1xi32>
      %squeeze3A_550 = vector.extract %slice3A_549[0] : i32 from vector<1xi32>
      %broadcast_in_dim3A_551 = vector.broadcast %squeeze3A_550 : i32 to vector<16xi32>
      %slice3A_552 = vector.extract_strided_slice %add3A_502 {offsets = [4], sizes = [1], strides = [1]} : vector<16xf32> to vector<1xf32>
      %squeeze3A_553 = vector.extract %slice3A_552[0] : f32 from vector<1xf32>
      %broadcast_in_dim3A_554 = vector.broadcast %squeeze3A_553 : f32 to vector<16xf32>
      %eq3A_555 = arith.cmpi eq, %iota3A, %broadcast_in_dim3A_551 : vector<16xi32>
      %select_n3A_556 = arith.select %eq3A_555, %broadcast_in_dim3A_554, %select_n3A_546 : vector<16xi1>, vector<16xf32>
      %eq3A_557 = arith.cmpi eq, %add3A_211, %broadcast_in_dim3A_551 : vector<16xi32>
      %select_n3A_558 = arith.select %eq3A_557, %broadcast_in_dim3A_554, %select_n3A_548 : vector<16xi1>, vector<16xf32>
      %swap3A_559 = arith.constant 60 : index
      %swap3A_560 = tpu.vector_load %arg13[%swap3A_559] {strides = array<i32>} : memref<104xf32, #tpu.memory_space<vmem>>, vector<16xf32>,
      %swap3A_561 = vector.shape_cast %swap3A_560 : vector<16xf32> to vector<16xf32>
      %swap3A_562 = vector.shape_cast %select_n3A_556 : vector<16xf32> to vector<16xf32>
      tpu.vector_store %arg13[%swap3A_559], %swap3A_562 {strides = array<i32>} : memref<104xf32, #tpu.memory_space<vmem>>, vector<16xf32>,
      %swap3A_563 = arith.constant 64 : index
      %swap3A_564 = tpu.vector_load %arg13[%swap3A_563] {strides = array<i32>} : memref<104xf32, #tpu.memory_space<vmem>>, vector<16xf32>,
      %swap3A_565 = vector.shape_cast %swap3A_564 : vector<16xf32> to vector<16xf32>
      %swap3A_566 = vector.shape_cast %select_n3A_558 : vector<16xf32> to vector<16xf32>
      tpu.vector_store %arg13[%swap3A_563], %swap3A_566 {strides = array<i32>} : memref<104xf32, #tpu.memory_space<vmem>>, vector<16xf32>,
      %slice3A_567 = vector.extract_strided_slice %get3A_45 {offsets = [11], sizes = [1], strides = [1]} : vector<16xf32> to vector<1xf32>
      %squeeze3A_568 = vector.extract %slice3A_567[0] : f32 from vector<1xf32>
      %broadcast_in_dim3A_569 = vector.broadcast %squeeze3A_568 : f32 to vector<16xf32>
      %mul3A_570 = arith.mulf %broadcast_in_dim3A_569, %select_n3A_84 : vector<16xf32>
      %add3A_571 = arith.addf %get3A_54, %mul3A_570 : vector<16xf32>
      %slice3A_572 = vector.extract_strided_slice %get3A_45 {offsets = [12], sizes = [1], strides = [1]} : vector<16xf32> to vector<1xf32>
      %squeeze3A_573 = vector.extract %slice3A_572[0] : f32 from vector<1xf32>
      %broadcast_in_dim3A_574 = vector.broadcast %squeeze3A_573 : f32 to vector<16xf32>
      %mul3A_575 = arith.mulf %broadcast_in_dim3A_574, %select_n3A_115 : vector<16xf32>
      %add3A_576 = arith.addf %add3A_571, %mul3A_575 : vector<16xf32>
      %slice3A_577 = vector.extract_strided_slice %get3A_45 {offsets = [13], sizes = [1], strides = [1]} : vector<16xf32> to vector<1xf32>
      %squeeze3A_578 = vector.extract %slice3A_577[0] : f32 from vector<1xf32>
      %broadcast_in_dim3A_579 = vector.broadcast %squeeze3A_578 : f32 to vector<16xf32>
      %mul3A_580 = arith.mulf %broadcast_in_dim3A_579, %select_n3A_146 : vector<16xf32>
      %add3A_581 = arith.addf %add3A_576, %mul3A_580 : vector<16xf32>
      %slice3A_582 = vector.extract_strided_slice %get3A_45 {offsets = [14], sizes = [1], strides = [1]} : vector<16xf32> to vector<1xf32>
      %squeeze3A_583 = vector.extract %slice3A_582[0] : f32 from vector<1xf32>
      %broadcast_in_dim3A_584 = vector.broadcast %squeeze3A_583 : f32 to vector<16xf32>
      %mul3A_585 = arith.mulf %broadcast_in_dim3A_584, %select_n3A_177 : vector<16xf32>
      %add3A_586 = arith.addf %add3A_581, %mul3A_585 : vector<16xf32>
      %slice3A_587 = vector.extract_strided_slice %get3A_45 {offsets = [15], sizes = [1], strides = [1]} : vector<16xf32> to vector<1xf32>
      %squeeze3A_588 = vector.extract %slice3A_587[0] : f32 from vector<1xf32>
      %broadcast_in_dim3A_589 = vector.broadcast %squeeze3A_588 : f32 to vector<16xf32>
      %mul3A_590 = arith.mulf %broadcast_in_dim3A_589, %select_n3A_208 : vector<16xf32>
      %add3A_591 = arith.addf %add3A_586, %mul3A_590 : vector<16xf32>
      %get3A_592 = arith.constant 80 : index
      %get3A_593 = tpu.vector_load %arg12[%get3A_592] {strides = array<i32>} : memref<104xf32, #tpu.memory_space<vmem>>, vector<16xf32>,
      %get3A_594 = vector.shape_cast %get3A_593 : vector<16xf32> to vector<16xf32>
      %get3A_595 = arith.constant 84 : index
      %get3A_596 = tpu.vector_load %arg12[%get3A_595] {strides = array<i32>} : memref<104xf32, #tpu.memory_space<vmem>>, vector<16xf32>,
      %get3A_597 = vector.shape_cast %get3A_596 : vector<16xf32> to vector<16xf32>
      %slice3A_598 = vector.extract_strided_slice %get3A_57 {offsets = [0], sizes = [1], strides = [1]} : vector<16xi32> to vector<1xi32>
      %squeeze3A_599 = vector.extract %slice3A_598[0] : i32 from vector<1xi32>
      %broadcast_in_dim3A_600 = vector.broadcast %squeeze3A_599 : i32 to vector<16xi32>
      %slice3A_601 = vector.extract_strided_slice %add3A_591 {offsets = [0], sizes = [1], strides = [1]} : vector<16xf32> to vector<1xf32>
      %squeeze3A_602 = vector.extract %slice3A_601[0] : f32 from vector<1xf32>
      %broadcast_in_dim3A_603 = vector.broadcast %squeeze3A_602 : f32 to vector<16xf32>
      %eq3A_604 = arith.cmpi eq, %iota3A, %broadcast_in_dim3A_600 : vector<16xi32>
      %select_n3A_605 = arith.select %eq3A_604, %broadcast_in_dim3A_603, %get3A_594 : vector<16xi1>, vector<16xf32>
      %eq3A_606 = arith.cmpi eq, %add3A_211, %broadcast_in_dim3A_600 : vector<16xi32>
      %select_n3A_607 = arith.select %eq3A_606, %broadcast_in_dim3A_603, %get3A_597 : vector<16xi1>, vector<16xf32>
      %slice3A_608 = vector.extract_strided_slice %get3A_57 {offsets = [1], sizes = [1], strides = [1]} : vector<16xi32> to vector<1xi32>
      %squeeze3A_609 = vector.extract %slice3A_608[0] : i32 from vector<1xi32>
      %broadcast_in_dim3A_610 = vector.broadcast %squeeze3A_609 : i32 to vector<16xi32>
      %slice3A_611 = vector.extract_strided_slice %add3A_591 {offsets = [1], sizes = [1], strides = [1]} : vector<16xf32> to vector<1xf32>
      %squeeze3A_612 = vector.extract %slice3A_611[0] : f32 from vector<1xf32>
      %broadcast_in_dim3A_613 = vector.broadcast %squeeze3A_612 : f32 to vector<16xf32>
      %eq3A_614 = arith.cmpi eq, %iota3A, %broadcast_in_dim3A_610 : vector<16xi32>
      %select_n3A_615 = arith.select %eq3A_614, %broadcast_in_dim3A_613, %select_n3A_605 : vector<16xi1>, vector<16xf32>
      %eq3A_616 = arith.cmpi eq, %add3A_211, %broadcast_in_dim3A_610 : vector<16xi32>
      %select_n3A_617 = arith.select %eq3A_616, %broadcast_in_dim3A_613, %select_n3A_607 : vector<16xi1>, vector<16xf32>
      %slice3A_618 = vector.extract_strided_slice %get3A_57 {offsets = [2], sizes = [1], strides = [1]} : vector<16xi32> to vector<1xi32>
      %squeeze3A_619 = vector.extract %slice3A_618[0] : i32 from vector<1xi32>
      %broadcast_in_dim3A_620 = vector.broadcast %squeeze3A_619 : i32 to vector<16xi32>
      %slice3A_621 = vector.extract_strided_slice %add3A_591 {offsets = [2], sizes = [1], strides = [1]} : vector<16xf32> to vector<1xf32>
      %squeeze3A_622 = vector.extract %slice3A_621[0] : f32 from vector<1xf32>
      %broadcast_in_dim3A_623 = vector.broadcast %squeeze3A_622 : f32 to vector<16xf32>
      %eq3A_624 = arith.cmpi eq, %iota3A, %broadcast_in_dim3A_620 : vector<16xi32>
      %select_n3A_625 = arith.select %eq3A_624, %broadcast_in_dim3A_623, %select_n3A_615 : vector<16xi1>, vector<16xf32>
      %eq3A_626 = arith.cmpi eq, %add3A_211, %broadcast_in_dim3A_620 : vector<16xi32>
      %select_n3A_627 = arith.select %eq3A_626, %broadcast_in_dim3A_623, %select_n3A_617 : vector<16xi1>, vector<16xf32>
      %slice3A_628 = vector.extract_strided_slice %get3A_57 {offsets = [3], sizes = [1], strides = [1]} : vector<16xi32> to vector<1xi32>
      %squeeze3A_629 = vector.extract %slice3A_628[0] : i32 from vector<1xi32>
      %broadcast_in_dim3A_630 = vector.broadcast %squeeze3A_629 : i32 to vector<16xi32>
      %slice3A_631 = vector.extract_strided_slice %add3A_591 {offsets = [3], sizes = [1], strides = [1]} : vector<16xf32> to vector<1xf32>
      %squeeze3A_632 = vector.extract %slice3A_631[0] : f32 from vector<1xf32>
      %broadcast_in_dim3A_633 = vector.broadcast %squeeze3A_632 : f32 to vector<16xf32>
      %eq3A_634 = arith.cmpi eq, %iota3A, %broadcast_in_dim3A_630 : vector<16xi32>
      %select_n3A_635 = arith.select %eq3A_634, %broadcast_in_dim3A_633, %select_n3A_625 : vector<16xi1>, vector<16xf32>
      %eq3A_636 = arith.cmpi eq, %add3A_211, %broadcast_in_dim3A_630 : vector<16xi32>
      %select_n3A_637 = arith.select %eq3A_636, %broadcast_in_dim3A_633, %select_n3A_627 : vector<16xi1>, vector<16xf32>
      %slice3A_638 = vector.extract_strided_slice %get3A_57 {offsets = [4], sizes = [1], strides = [1]} : vector<16xi32> to vector<1xi32>
      %squeeze3A_639 = vector.extract %slice3A_638[0] : i32 from vector<1xi32>
      %broadcast_in_dim3A_640 = vector.broadcast %squeeze3A_639 : i32 to vector<16xi32>
      %slice3A_641 = vector.extract_strided_slice %add3A_591 {offsets = [4], sizes = [1], strides = [1]} : vector<16xf32> to vector<1xf32>
      %squeeze3A_642 = vector.extract %slice3A_641[0] : f32 from vector<1xf32>
      %broadcast_in_dim3A_643 = vector.broadcast %squeeze3A_642 : f32 to vector<16xf32>
      %eq3A_644 = arith.cmpi eq, %iota3A, %broadcast_in_dim3A_640 : vector<16xi32>
      %select_n3A_645 = arith.select %eq3A_644, %broadcast_in_dim3A_643, %select_n3A_635 : vector<16xi1>, vector<16xf32>
      %eq3A_646 = arith.cmpi eq, %add3A_211, %broadcast_in_dim3A_640 : vector<16xi32>
      %select_n3A_647 = arith.select %eq3A_646, %broadcast_in_dim3A_643, %select_n3A_637 : vector<16xi1>, vector<16xf32>
      %swap3A_648 = arith.constant 80 : index
      %swap3A_649 = tpu.vector_load %arg13[%swap3A_648] {strides = array<i32>} : memref<104xf32, #tpu.memory_space<vmem>>, vector<16xf32>,
      %swap3A_650 = vector.shape_cast %swap3A_649 : vector<16xf32> to vector<16xf32>
      %swap3A_651 = vector.shape_cast %select_n3A_645 : vector<16xf32> to vector<16xf32>
      tpu.vector_store %arg13[%swap3A_648], %swap3A_651 {strides = array<i32>} : memref<104xf32, #tpu.memory_space<vmem>>, vector<16xf32>,
      %swap3A_652 = arith.constant 84 : index
      %swap3A_653 = tpu.vector_load %arg13[%swap3A_652] {strides = array<i32>} : memref<104xf32, #tpu.memory_space<vmem>>, vector<16xf32>,
      %swap3A_654 = vector.shape_cast %swap3A_653 : vector<16xf32> to vector<16xf32>
      %swap3A_655 = vector.shape_cast %select_n3A_647 : vector<16xf32> to vector<16xf32>
      tpu.vector_store %arg13[%swap3A_652], %swap3A_655 {strides = array<i32>} : memref<104xf32, #tpu.memory_space<vmem>>, vector<16xf32>,
      "tpu.region"() ({
        %run_scoped3A = tpu.sem_alloc : memref<!tpu.dma_semaphore, #tpu.memory_space<semaphore_mem>>
        %dma_start3A_656 = arith.constant 0 : i32
        %dma_start3A_657 = tpu.memref_slice %arg13[%dma_start3A_656] : memref<104xf32, #tpu.memory_space<vmem>> -> memref<100xf32, #tpu.memory_space<vmem>>
        %dma_start3A_658 = arith.constant 0 : i32
        %dma_start3A_659 = tpu.memref_slice %arg13[%dma_start3A_658] : memref<104xf32, #tpu.memory_space<vmem>> -> memref<100xf32, #tpu.memory_space<vmem>>
        tpu.enqueue_dma source(%dma_start3A_659 : memref<100xf32, #tpu.memory_space<vmem>>) target(%arg7 : memref<100xf32, #tpu.memory_space<hbm>>) target_semaphore(%run_scoped3A : memref<!tpu.dma_semaphore, #tpu.memory_space<semaphore_mem>>)
        %dma_wait3A_660 = arith.constant 0 : i32
        %dma_wait3A_661 = tpu.memref_slice %arg13[%dma_wait3A_660] : memref<104xf32, #tpu.memory_space<vmem>> -> memref<100xf32, #tpu.memory_space<vmem>>
        %dma_wait3A_662 = arith.constant 0 : i32
        %dma_wait3A_663 = tpu.memref_slice %arg13[%dma_wait3A_662] : memref<104xf32, #tpu.memory_space<vmem>> -> memref<100xf32, #tpu.memory_space<vmem>>
        tpu.wait_dma2 semaphore(%run_scoped3A : memref<!tpu.dma_semaphore, #tpu.memory_space<semaphore_mem>>) src(%dma_wait3A_663 : memref<100xf32, #tpu.memory_space<vmem>>) dst(%arg7 : memref<100xf32, #tpu.memory_space<hbm>>)
        tpu.yield
      }) : () -> ()
    } else {
    }
    return
  }
}

</mosaic_0001>

<sc_bundles>
// kernel: kernel.3.cloned.1.call-start
scs
__scs_entry_jumppad:
0x0: {  	(pc) =	sbr.rel $0x88, $3  }
0x1: {  	(tag) =	ssettag $0x0;
	lr =	simm.s32 $0x1  }
0x2: {  	[smem:$0x3F9C] =	sst lr;
	_ =	strace $0xD0000000  }
0x3: {  	_ = 	snop  }
0x4: {  	_ = 	snop  }
0x5: {  	_ = 	snop  }
0x6: {  	_ = 	snop  }
0x7: {  	_ = 	snop  }
__scs_overlays_trampoline_lowered:
0x8: {  	[smem:$0x3FAB] =	sst s0  }
0x9: {  	[smem:$0x3FAC] =	sst s1  }
0xa: {  	[smem:$0x3FAD] =	sst s2  }
0xb: {  	[smem:$0x3FAE] =	sst s3  }
0xc: {  	[smem:$0x3FAF] =	sst s4  }
0xd: {  	[smem:$0x3FB0] =	sst s5  }
0xe: {  	[smem:$0x3FB1] =	sst s6  }
0xf: {  	[smem:$0x3FB2] =	sst s7  }
0x10: {  	[smem:$0x3FB3] =	sst s8  }
0x11: {  	[smem:$0x3FB4] =	sst s9;
	s0 =	simm.s32 @!p0 $0x0  }
0x12: {  	s1 =	sld [smem:$0x3F9A];
	s0 =	simm.s32 @p0 $0x1  }
0x13: {  	[smem:$0x3FB5] =	sst s0;
	s0 =	simm.s32 @!p1 $0x0  }
0x14: {  	s2 =	sld [smem:$0x3F99];
	s0 =	simm.s32 @p1 $0x1  }
0x15: {  	[smem:$0x3FB6] =	sst s0;
	s0 =	simm.s32 @!p2 $0x0  }
0x16: {  	s3 =	sld [smem:$0x3FDB];
	s0 =	simm.s32 @p2 $0x1  }
0x17: {  	s4 =	simm.s32 $0x1BF5;
	[smem:$0x3FB8] =	sst s0  }
0x18: {  	s0 =	sld [smem:$0x3F9B];
	_ =	swait.ge [sflag:s4], $0x0  }
0x19: {  	s7 =	sld [smem:$0x3F9C]  }
0x1a: {  	s8 =	sadd.s32 $0xFFFFE003, lr  }
0x1b: {  	s9 =	sadd.s32 $0xFFFFFEF7, lr;
	s5 =	simm.s32 $0xFFFFFFFF;
	p2 =	slt.u32 s8, $0xFFFFF086  }
0x1c: {  	p1 =	slt.u32 s9, $0xF7A;
	s5 =	simm.s32 @!p2 $0x0  }
0x1d: {  	s5 =	simm.s32 @p1 $0x1;
	p0 =	seq.s32 s7, s2  }
0x1e: {  	s7 =	smul.u32 @!p0 $0xF7A, s2;
	p2 =	seq.s32 @!p0 s5, $0x0  }
0x1f: {  	s9 =	smul.u32 $0xF7A, s1;
	s8 =	simm.s32 @!p0 $0x1BF5;
	p2 =	por !p2, p0  }
0x20: {  	[sflag:s8] =	ssyncset.s32 @!p0 $0xFFFFF086;
	s6 =	sadd.s32 @!p0 s3, s7;
	s7 =	simm.s32 @!p0 $0x108  }
0x21: {  	s3 =	sadd.s32 s3, s9;
	s6 =	sadd.s32 @!p0 $0x88, s6;
	s7 =	simm.s32 @p2 $0x1082  }
0x22: {  	[simem:s7], [sflag:s8] =	dma.local @!p0 [hbm:s6], $0xF7A  }
0x23: {  	s9 =	sor.u32 $0xD0000000, s2;
	s6 =	simm.s32 $0x108;
	_ =	swait.ge @!p0 [sflag:s8], $0x0  }
0x24: {  	s3 =	sadd.s32 $0x88, s3;
	s6 =	simm.s32 @!p1 $0x1082;
	[sflag:s4] =	ssyncset.s32 $0xFFFFF086  }
0x25: {  	[simem:s6], [sflag:s4] =	dma.local [hbm:s3], $0xF7A  }
0x26: {  	[smem:$0x3F9C] =	sst s1;
	(tag) =	ssettag s2;
	_ =	strace s9  }
0x27: {  	s1 =	sld [smem:$0x3FAC]  }
0x28: {  	s2 =	sld [smem:$0x3FAD]  }
0x29: {  	s4 =	sld [smem:$0x3FAF]  }
0x2a: {  	p0 =	seq.s32 s5, $0x0;
	s5 =	sld [smem:$0x3FB0]  }
0x2b: {  	s6 =	sld [smem:$0x3FB1]  }
0x2c: {  	s7 =	sld [smem:$0x3FB2]  }
0x2d: {  	s3 =	simm.s32 $0x108;
	s8 =	sld [smem:$0x3FB3]  }
0x2e: {  	s3 =	simm.s32 @!p0 $0x1082;
	s9 =	sld [smem:$0x3FB4]  }
0x2f: {  	lr =	sadd.s32 s0, s3;
	s0 =	sld [smem:$0x3FAB]  }
0x30: {  	s3 =	sld [smem:$0x3FAE]  }
0x31: {  	[smem:$0x3FB7] =	sst s10  }
0x32: {  	s10 =	sld [smem:$0x3FB5];
	_ =	sdelay $0x3  }
0x33: {  	p0 =	seq.s32 s10, $0x1;
	s10 =	sld [smem:$0x3FB7];
	_ =	sdelay $0x3  }
0x34: {  	[smem:$0x3FB7] =	sst s10  }
0x35: {  	s10 =	sld [smem:$0x3FB6];
	_ =	sdelay $0x3  }
0x36: {  	p1 =	seq.s32 s10, $0x1;
	s10 =	sld [smem:$0x3FB7];
	_ =	sdelay $0x3  }
0x37: {  	[smem:$0x3FB7] =	sst s10  }
0x38: {  	s10 =	sld [smem:$0x3FB8]  }
0x39: {  	_ = 	snop;
	(pc) =	sbr.ind lr, $3  }
0x3a: {  	_ = 	snop  }
0x3b: {  	_ = 	snop  }
0x3c: {  	p2 =	seq.s32 s10, $0x1;
	s10 =	sld [smem:$0x3FB7]  }
0x3d: {  	_ =	shalt  }
0x3e: {  	_ =	shalt  }
0x3f: {  	_ =	shalt  }
0x40: {  	_ =	shalt  }
0x41: {  	_ =	shalt  }
0x42: {  	_ =	shalt  }
0x43: {  	_ =	shalt  }
0x44: {  	_ =	shalt  }
0x45: {  	_ =	shalt  }
0x46: {  	_ =	shalt  }
0x47: {  	_ =	shalt  }
0x48: {  	_ =	shalt  }
0x49: {  	_ =	shalt  }
0x4a: {  	_ =	shalt  }
0x4b: {  	_ =	shalt  }
0x4c: {  	_ =	shalt  }
0x4d: {  	_ =	shalt  }
0x4e: {  	_ =	shalt  }
0x4f: {  	_ =	shalt  }
0x50: {  	_ =	shalt  }
0x51: {  	_ =	shalt  }
0x52: {  	_ =	shalt  }
0x53: {  	_ =	shalt  }
0x54: {  	_ =	shalt  }
0x55: {  	_ =	shalt  }
0x56: {  	_ =	shalt  }
0x57: {  	_ =	shalt  }
0x58: {  	_ =	shalt  }
0x59: {  	_ =	shalt  }
0x5a: {  	_ =	shalt  }
0x5b: {  	_ =	shalt  }
0x5c: {  	_ =	shalt  }
0x5d: {  	_ =	shalt  }
0x5e: {  	_ =	shalt  }
0x5f: {  	_ =	shalt  }
0x60: {  	_ =	shalt  }
0x61: {  	_ =	shalt  }
0x62: {  	_ =	shalt  }
0x63: {  	_ =	shalt  }
0x64: {  	_ =	shalt  }
0x65: {  	_ =	shalt  }
0x66: {  	_ =	shalt  }
0x67: {  	_ =	shalt  }
0x68: {  	_ =	shalt  }
0x69: {  	_ =	shalt  }
0x6a: {  	_ =	shalt  }
0x6b: {  	_ =	shalt  }
0x6c: {  	_ =	shalt  }
0x6d: {  	_ =	shalt  }
0x6e: {  	_ =	shalt  }
0x6f: {  	_ =	shalt  }
0x70: {  	_ =	shalt  }
0x71: {  	_ =	shalt  }
0x72: {  	_ =	shalt  }
0x73: {  	_ =	shalt  }
0x74: {  	_ =	shalt  }
0x75: {  	_ =	shalt  }
0x76: {  	_ =	shalt  }
0x77: {  	_ =	shalt  }
0x78: {  	_ =	shalt  }
0x79: {  	_ =	shalt  }
0x7a: {  	_ =	shalt  }
0x7b: {  	_ =	shalt  }
0x7c: {  	_ =	shalt  }
0x7d: {  	_ =	shalt  }
0x7e: {  	_ =	shalt  }
0x7f: {  	_ =	shalt  }
0x80: {  	_ =	shalt  }
0x81: {  	_ =	shalt  }
0x82: {  	_ =	shalt  }
0x83: {  	_ =	shalt  }
0x84: {  	_ =	shalt  }
0x85: {  	_ =	shalt  }
0x86: {  	_ =	shalt  }
0x87: {  	_ =	shalt  }
.Lfunc_end0:
.L_simem_size_0:
called_computation_lowered:
.L_overlay_start_0:
0x88: {  	s0 =	sld [smem:$0x3FD9]  }
0x89: {  	s1 =	sld [smem:$0x3FFE];
	_ =	sdelay $0x3  }
0x8a: {  	s0 =	sadd.s32 s1, s0  }
0x8b: {  	[smem:$0x3FC3] =	sst s0  }
0x8c: {  	_ = 	snop  }
0x8d: {  	s0 =	sld [smem:$0x3FC8]  }
0x8e: {  	s16 =	sld [smem:$0x3FC6]  }
0x8f: {  	s2 =	sld [smem:$0x3FD0];
	(tm) =	ssettm $0x1  }
0x90: {  	s3 =	sld [smem:$0x3FFB];
	_ =	sdelay $0x3  }
0x91: {  	_ =	strace s3  }
0x92: {  	s3 =	sld [smem:$0x3FFC];
	_ =	sdelay $0x3  }
0x93: {  	_ =	strace s3  }
0x94: {  	s3 =	sld [smem:$0x3FFD];
	_ =	sdelay $0x3  }
0x95: {  	_ =	strace s3  }
0x96: {  	_ =	strace $0x8FFFFFFF  }
0x97: {  	s17 =	sld [smem:$0x3FDB];
	_ =	sdelay $0x1  }
0x98: {  	s4 =	simm.s32 $_scs_section_size  }
0x99: {  	s5 =	simm.s32 $_size__tile_overlayer_lowered;
	s6 =	simm.s32 $_tile_overlayer_lowered  }
0x9a: {  	s20 =	simm.s32 $0x1BFF;
	s19 =	sshll.u32 s6, $0x1;
	s3 =	sadd.s32 s4, s17  }
0x9b: {  	s7 =	simm.s32 $0x0;
	s18 =	sshll.u32 s5, $0x1;
	s5 =	sadd.s32 s19, s3  }
0x9c: {  	[timem:s7], [sflag:s20] =	dma.local [hbm:s5], s18  }
0x9d: {  	_ =	swait.ge [sflag:s20], s18  }
0x9e: {  	s4 =	ssub.s32 $0x0, s18;
	[sflag:s20] =	ssyncset.done $0x0  }
0x9f: {  	[sflag:s20] =	ssyncadd.s32 s4;
	_ =	sdelay $0x1  }
0xa0: {  	s21 =	simm.s32 $0x1B8B  }
0xa1: {  	_ =	swait.ge [sflag:s21], $0x1  }
0xa2: {  	[sflag:s21] =	ssyncset.done $0x0  }
0xa3: {  	s23 =	simm.s32 $0x1B8E;
	s22 =	sld [smem:$0x3FFE];
	[sflag:s21] =	ssyncadd.s32 $0xFFFFFFFF  }
0xa4: {  	s24 =	simm.s32 $execute0_lowered;
	[smem:$0x3FD2] =	sst s23  }
0xa5: {  	s5 =	sshll.u32 s24, $0x1;
	_ =	strace $0x80000046;
	[dreg:$0x1] =	wrdreg $0xFFFFFFFF  }
0xa6: {  	s25 =	simm.s32 $_size_execute0_lowered;
	s3 =	sadd.s32 s3, s5;
	[dreg:$0x0] =	wrdreg $0x0  }
0xa7: {  	s5 =	sshll.u32 s25, $0x1;
	[dreg:$0x2] =	wrdreg s3  }
0xa8: {  	[dreg:$0x3] =	wrdreg s5  }
0xa9: {  	[dreg:$0x4] =	wrdreg $0xC0  }
0xaa: {  	_ =	task [dreg:s7], $0x5FFFF  }
0xab: {  	[dreg:$0x1] =	wrdreg $0xFFFFFFFF  }
0xac: {  	[dreg:$0x0] =	wrdreg $0x60  }
0xad: {  	[dreg:$0x2] =	wrdreg s2  }
0xae: {  	[dreg:$0x3] =	wrdreg s22  }
0xaf: {  	[dreg:$0x4] =	wrdreg s16  }
0xb0: {  	[dreg:$0x5] =	wrdreg s0  }
0xb1: {  	[dreg:$0x6] =	wrdreg $0x9  }
0xb2: {  	_ =	task.clear_ibuf [dreg:s7], $0x7FFFF;
	_ =	strace $0x90000046  }
0xb3: {  	s26 =	simm.s32 $0x9;
	_ =	strace $0x80000048  }
0xb4: {  	_ =	swait.ge [sflag:s26], $0x1  }
0xb5: {  	[sflag:s26] =	ssyncadd.s32 $0xFFFFFFFF  }
0xb6: {  	_ =	strace $0x90000048  }
0xb7: {  	_ =	sfence  }
0xb8: {  	s28 =	sld [smem:$0x0];
	_ =	sdelay $0x1  }
0xb9: {  	s29 =	srdreg.scid  }
0xba: {  	s30 =	sshll.u32 s29, $0xD;
	s31 =	sshrl.u32 s29, $0x2  }
0xbb: {  	s1 =	sand.u32 $0x1, s29;
	s2 =	sand.u32 $0x4000, s30;
	s0 =	sadd.s32 s31, s28  }
0xbc: {  	s1 =	sor.u32 s2, s1;
	s0 =	sshll.u32 s0, $0x11  }
0xbd: {  	s0 =	sor.u32 s0, s1  }
0xbe: {  	s0 =	sadd.s32 $0x8F2B, s0  }
0xbf: {  	[sflag:s0] =	ssyncadd.remote.s32 $0x1  }
0xc0: {  	_ =	sfence.sel $0xFFFF  }
0xc1: {  	[dreg:$0x0] =	wrdreg $0xFFFFFFFF;
	(pc) =	sbr.abs _section_cstart, $3  }
0xc2: {  	[dreg:$0x1] =	wrdreg $0xFFFFFFFF  }
0xc3: {  	_ =	task.clear_ibuf [dreg:s7], $0x2FFFF;
	_ =	strace $0x9FFFFFFF  }
0xc4: {  	(tm) =	ssettm $0x7FFFFFFF  }
0xc5: {  	_ =	shalt  }
tec
execute0_lowered:
.L_overlay_start_1:
0x0: {  	(tag) =	ssettag $0x1  }
0x1: {  	s5 =	rddreg [dreg:$0x0]  }
0x2: {  	s1 =	rddreg [dreg:$0x1]  }
0x3: {  	s4 =	rddreg [dreg:$0x2]  }
0x4: {  	s3 =	rddreg [dreg:$0x3];
	s2 =	stileid.u32  }
0x5: {  	s0 =	rddreg [dreg:$0x4];
	_ =	strace $0x80000047;
	p0 =	sne.s32 s2, $0x0  }
0x6: {  	_ =	sfence.sel @p0 $0x180000  }
0x7: {  	[bflag:$0x0] =	sbarrier.arrive @p0 $0xFFFF  }
0x8: {  	_ =	strace @p0 $0x90000047  }
0x9: {  	[bflag:$0x2] =	sbarrier.arrive @p0 $0xFFFF  }
0xa: {  	_ =	shalt @p0  }
.LBB2_1:
0xb: {  	s2 =	simm.s32 $0x0  }
0xc: {  	[tilespmem:s2], [sflag:$0x1] =	stream.linear.gather [hbm4b:s5+s2], $0x19, $0x38;
	[tilespmem:$0x300] =	vst v63  }
0xd: {  	s22 =	sadd.s32 $0x800, s1;
	s6 =	simm.s32 $0x80  }
0xe: {  	[tilespmem:s6], [sflag:$0x1] =	stream.linear.gather [hbm4b:s22+s2], $0x19, $0x38;
	[tilespmem:$0x300] =	vst v63  }
0xf: {  	s23 =	simm.s32 $0x100  }
0x10: {  	[tilespmem:s23], [sflag:$0x1] =	stream.linear.gather [hbm4b:s4+s2], $0x5, $0x38;
	[tilespmem:$0x300] =	vst v63  }
0x11: {  	s24 =	simm.s32 $0x180  }
0x12: {  	[tilespmem:s24], [sflag:$0x1] =	stream.linear.gather [hbm4b:s3+s2], $0x5, $0x38;
	[tilespmem:$0x300] =	vst v63  }
0x13: {  	s25 =	sadd.s32 $0xA00, s1;
	s26 =	simm.s32 $0x200;
	s28 =	simm.s32 $0x1  }
0x14: {  	[tilespmem:s26], [sflag:$0x1] =	stream.linear.gather [hbm4b:s25+s2], $0x64, $0x38;
	[tilespmem:$0x300] =	vst v63  }
0x15: {  	_ =	swait.ge [sflag:s28], $0x19  }
0x16: {  	[sflag:s28] =	ssyncset.done $0x0  }
0x17: {  	[sflag:s28] =	ssyncadd.s32 $0xFFFFFFE7  }
0x18: {  	_ =	swait.ge [sflag:s28], $0x19  }
0x19: {  	[sflag:s28] =	ssyncset.done $0x0  }
0x1a: {  	[sflag:s28] =	ssyncadd.s32 $0xFFFFFFE7  }
0x1b: {  	_ =	swait.ge [sflag:s28], $0x5  }
0x1c: {  	[sflag:s28] =	ssyncset.done $0x0  }
0x1d: {  	[sflag:s28] =	ssyncadd.s32 $0xFFFFFFFB  }
0x1e: {  	_ =	swait.ge [sflag:s28], $0x5  }
0x1f: {  	[sflag:s28] =	ssyncset.done $0x0  }
0x20: {  	[sflag:s28] =	ssyncadd.s32 $0xFFFFFFFB  }
0x21: {  	_ =	swait.ge [sflag:s28], $0x64  }
0x22: {  	[sflag:s28] =	ssyncset.done $0x0  }
0x23: {  	[sflag:s28] =	ssyncadd.s32 $0xFFFFFF9C  }
0x24: {  	v4 =	vld [tilespmem:$0x80];
	_ =	sdelay $0x2  }
0x25: {  	v6 =	vld [tilespmem:$0x89];
	_ =	sdelay $0x1  }
0x26: {  	v0 =	vbroadcast v4, $0x0;
	v1 =	vbroadcast v4, $0x5  }
0x27: {  	v2 =	vbroadcast v4, $0xA;
	v60 =	vbroadcast v4, $0xF  }
0x28: {  	v61 =	vbroadcast v4, $0x1;
	v62 =	vbroadcast v4, $0x6  }
0x29: {  	v3 =	vbroadcast v6, $0xB;
	v5 =	vbroadcast v4, $0xB  }
0x2a: {  	v9 =	vld [tilespmem:$0x0];
	v7 =	vbroadcast v6, $0x7;
	v8 =	vbroadcast v6, $0xC  }
0x2b: {  	v63 =	vbroadcast v4, $0x2;
	v10 =	vbroadcast v4, $0x7  }
0x2c: {  	v13 =	vbroadcast v4, $0xC;
	v15 =	vbroadcast v6, $0x8  }
0x2d: {  	v16 =	vbroadcast v6, $0xD;
	v17 =	vbroadcast v4, $0x3  }
0x2e: {  	v18 =	vbroadcast v4, $0x8;
	v19 =	vbroadcast v4, $0xD  }
0x2f: {  	v32 =	vld [tilespmem:$0x180];
	v20 =	vbroadcast v6, $0x9;
	v11 =	vbroadcast v9, $0x0  }
0x30: {  	v21 =	vbroadcast v4, $0x4;
	v23 =	vbroadcast v9, $0x1  }
0x31: {  	v27 =	vbroadcast v9, $0x2;
	v28 =	vbroadcast v6, $0xE  }
0x32: {  	v29 =	vbroadcast v6, $0xA;
	v31 =	vbroadcast v9, $0x3  }
0x33: {  	v6 =	vbroadcast v6, $0xF;
	v34 =	vbroadcast v9, $0x4  }
0x34: {  	v39 =	vbroadcast v32, $0x0;
	v41 =	vbroadcast v9, $0x5  }
0x35: {  	vm3 =	vcmask $0x314;
	v42 =	vbroadcast v32, $0x2;
	v43 =	vbroadcast v9, $0x6  }
0x36: {  	vm2 =	vcmask $0x714;
	v45 =	vbroadcast v32, $0x3;
	v47 =	vbroadcast v9, $0x8  }
0x37: {  	vm1 =	vcmask $0xB14;
	v50 =	vbroadcast v9, $0x9;
	v51 =	vbroadcast v9, $0xA  }
0x38: {  	vm0 =	vcmask $0xF14;
	v54 =	vbroadcast v9, $0xB;
	v57 =	vbroadcast v9, $0xC  }
0x39: {  	v0 =	vsel vm3, v0, v1;
	v1 =	vsel vm3, v61, v62;
	v14 =	vsel vm3, v63, v10  }
0x3a: {  	v0 =	vsel vm2, v0, v2;
	v1 =	vsel vm2, v1, v5;
	v5 =	vsel vm3, v17, v18  }
0x3b: {  	v17 =	vbroadcast v9, $0x7;
	v0 =	vsel vm1, v0, v60;
	v12 =	vsel vm1, v1, v7  }
0x3c: {  	v1 =	vsel vm2, v14, v13;
	v5 =	vsel vm2, v5, v19;
	v14 =	vbroadcast v32, $0x1  }
0x3d: {  	v13 =	vlaneseq.u32;
	v7 =	vbroadcast v32, $0x4;
	v60 =	vbroadcast v9, $0xD  }
0x3e: {  	v2 =	vsel vm0, v0, v3;
	v0 =	vsel vm0, v12, v8;
	v1 =	vsel vm1, v1, v15  }
0x3f: {  	v12 =	vbroadcast v4, $0x9;
	v5 =	vsel vm1, v5, v20;
	v4 =	vbroadcast v4, $0xE  }
0x40: {  	vm12 =	veq.s32 v39, v13;
	v15 =	vadd.s32 $0x4, v13;
	vm4 =	veq.s32 v42, v13  }
0x41: {  	vm6 =	veq.s32 v45, v13;
	v1 =	vsel vm0, v1, v16;
	v22 =	vmul.f32 v2, v11  }
0x42: {  	v26 =	vmul.f32 v0, v23;
	v5 =	vsel vm0, v5, v28;
	vm14 =	veq.s32 v14, v13  }
0x43: {  	v63 =	vld [tilespmem:$0x9];
	vm15 =	veq.s32 v14, v15;
	v11 =	vmul.f32 v2, v41;
	v14 =	vmul.f32 v0, v43  }
0x44: {  	v3 =	vld [tilespmem:$0x100];
	vm13 =	veq.s32 v39, v15;
	v56 =	vmul.f32 v0, v54;
	v30 =	vmul.f32 v1, v27  }
0x45: {  	vm5 =	veq.s32 v42, v15;
	v33 =	vmul.f32 v5, v31;
	v46 =	vmul.f32 v1, v17  }
0x46: {  	v24 =	vsel vm3, v21, v12;
	v49 =	vmul.f32 v5, v47;
	v12 =	vmul.f32 v2, v51  }
0x47: {  	vm7 =	veq.s32 v45, v15;
	v59 =	vmul.f32 v1, v57;
	v21 =	vmul.f32 v5, v60  }
0x48: {  	vm9 =	veq.s32 v7, v15;
	v28 =	vbroadcast v63, $0x7;
	v18 =	vbroadcast v63, $0x8  }
0x49: {  	v31 =	vbroadcast v63, $0xB;
	v4 =	vsel vm2, v24, v4;
	v25 =	vadd.f32 v22, v3  }
0x4a: {  	v41 =	vbroadcast v63, $0xE;
	v4 =	vsel vm1, v4, v29;
	v18 =	vmul.f32 v1, v18  }
0x4b: {  	v4 =	vsel vm0, v4, v6;
	v11 =	vadd.f32 v11, v3;
	v8 =	vadd.f32 v25, v26  }
0x4c: {  	v12 =	vadd.f32 v12, v3;
	v22 =	vbroadcast v9, $0xE;
	v9 =	vbroadcast v9, $0xF  }
0x4d: {  	v36 =	vmul.f32 v4, v34;
	v52 =	vmul.f32 v4, v50;
	v8 =	vadd.f32 v8, v30  }
0x4e: {  	v11 =	vadd.f32 v11, v14;
	v12 =	vadd.f32 v12, v56;
	v24 =	vmul.f32 v4, v22  }
0x4f: {  	v9 =	vmul.f32 v2, v9;
	v14 =	vmul.f32 v0, v28;
	v35 =	vadd.f32 v8, v33  }
0x50: {  	v2 =	vmul.f32 v2, v31;
	v11 =	vadd.f32 v11, v46;
	v33 =	vbroadcast v63, $0x9  }
0x51: {  	v12 =	vadd.f32 v12, v59;
	v6 =	vadd.f32 v35, v36;
	v35 =	vbroadcast v63, $0xC  }
0x52: {  	v11 =	vadd.f32 v11, v49;
	v15 =	vmul.f32 v5, v33;
	v36 =	vbroadcast v63, $0xA  }
0x53: {  	v37 =	vld [tilespmem:$0x200];
	v12 =	vadd.f32 v12, v21;
	v5 =	vmul.f32 v5, v41;
	v40 =	vbroadcast v6, $0x0  }
0x54: {  	v38 =	vld [tilespmem:$0x204];
	v11 =	vadd.f32 v11, v52;
	v16 =	vbroadcast v6, $0x1;
	v44 =	vbroadcast v6, $0x2  }
0x55: {  	v53 =	vld [tilespmem:$0x214];
	v9 =	vadd.f32 v9, v3;
	v48 =	vbroadcast v6, $0x3;
	v6 =	vbroadcast v6, $0x4  }
0x56: {  	v55 =	vld [tilespmem:$0x218];
	v12 =	vadd.f32 v12, v24;
	v58 =	vbroadcast v11, $0x0;
	v62 =	vbroadcast v11, $0x1  }
0x57: {  	v27 =	vld [tilespmem:$0x22C];
	v9 =	vadd.f32 v9, v14;
	v23 =	vbroadcast v11, $0x2;
	v25 =	vbroadcast v11, $0x3  }
0x58: {  	vm8 =	veq.s32 v7, v13;
	v26 =	vld [tilespmem:$0x228];
	v11 =	vbroadcast v11, $0x4;
	v29 =	vbroadcast v12, $0x0  }
0x59: {  	v9 =	vadd.f32 v9, v18;
	v32 =	vbroadcast v12, $0x1;
	v34 =	vbroadcast v12, $0x2  }
0x5a: {  	v2 =	vadd.f32 v2, v3;
	v0 =	vmul.f32 v0, v35;
	v3 =	vmul.f32 v4, v36  }
0x5b: {  	v9 =	vadd.f32 v9, v15;
	v39 =	vbroadcast v12, $0x3;
	v42 =	vbroadcast v12, $0x4  }
0x5c: {  	v10 =	vsel vm12, v40, v37;
	v8 =	vsel vm13, v40, v38;
	v61 =	vsel vm12, v58, v53  }
0x5d: {  	v7 =	vsel vm13, v58, v55;
	v30 =	vsel vm12, v29, v26;
	v13 =	vsel vm13, v29, v27  }
0x5e: {  	v37 =	vbroadcast v63, $0xD;
	v0 =	vadd.f32 v2, v0;
	v3 =	vadd.f32 v9, v3  }
0x5f: {  	v10 =	vsel vm14, v16, v10;
	v8 =	vsel vm15, v16, v8;
	v7 =	vsel vm15, v62, v7  }
0x60: {  	v13 =	vsel vm15, v32, v13;
	v10 =	vsel vm4, v44, v10;
	v8 =	vsel vm5, v44, v8  }
0x61: {  	v7 =	vsel vm5, v23, v7;
	v1 =	vmul.f32 v1, v37;
	v44 =	vbroadcast v63, $0xF  }
0x62: {  	v43 =	vld [tilespmem:$0x240];
	v38 =	vsel vm5, v34, v13;
	v45 =	vbroadcast v3, $0x0;
	v46 =	vbroadcast v3, $0x1  }
0x63: {  	v40 =	vld [tilespmem:$0x23C];
	v52 =	vbroadcast v3, $0x3;
	v10 =	vsel vm6, v48, v10;
	v8 =	vsel vm7, v48, v8  }
0x64: {  	v7 =	vsel vm7, v25, v7;
	v2 =	vsel vm7, v39, v38;
	v48 =	vbroadcast v3, $0x2  }
0x65: {  	v3 =	vbroadcast v3, $0x4;
	v10 =	vsel vm8, v6, v10;
	v6 =	vsel vm9, v6, v8  }
0x66: {  	v8 =	vsel vm14, v62, v61;
	v7 =	vsel vm9, v11, v7;
	v0 =	vadd.f32 v0, v1  }
0x67: {  	v4 =	vmul.f32 v4, v44;
	v2 =	vsel vm9, v42, v2;
	v1 =	vsel vm13, v45, v43  }
0x68: {  	v8 =	vsel vm4, v23, v8;
	v47 =	vsel vm12, v45, v40;
	v0 =	vadd.f32 v0, v5  }
0x69: {  	v49 =	vld [tilespmem:$0x250];
	v1 =	vsel vm15, v46, v1;
	v8 =	vsel vm6, v25, v8;
	v9 =	vsel vm14, v46, v47  }
0x6a: {  	v50 =	vld [tilespmem:$0x254];
	v1 =	vsel vm5, v48, v1;
	v8 =	vsel vm8, v11, v8;
	v0 =	vadd.f32 v0, v4  }
0x6b: {  	[tilespmem:$0x280] =	vst v10;
	v11 =	vsel vm14, v32, v30;
	v51 =	vsel vm4, v48, v9;
	v1 =	vsel vm7, v52, v1  }
0x6c: {  	[tilespmem:$0x284] =	vst v6;
	v11 =	vsel vm4, v34, v11;
	v5 =	vsel vm6, v52, v51;
	v53 =	vbroadcast v0, $0x0  }
0x6d: {  	[tilespmem:$0x294] =	vst v8;
	v11 =	vsel vm6, v39, v11;
	v5 =	vsel vm8, v3, v5;
	v54 =	vbroadcast v0, $0x1  }
0x6e: {  	[tilespmem:$0x298] =	vst v7;
	v11 =	vsel vm8, v42, v11;
	v56 =	vbroadcast v0, $0x2;
	v55 =	vsel vm12, v53, v49  }
0x6f: {  	v58 =	vbroadcast v0, $0x3;
	[tilespmem:$0x2BC] =	vst v5;
	v4 =	vsel vm13, v53, v50;
	v57 =	vsel vm14, v54, v55  }
0x70: {  	v0 =	vbroadcast v0, $0x4;
	[tilespmem:$0x2A8] =	vst v11;
	v59 =	vsel vm15, v54, v4;
	v60 =	vsel vm4, v56, v57  }
0x71: {  	v1 =	vsel vm9, v3, v1;
	[tilespmem:$0x2AC] =	vst v2;
	v2 =	vsel vm5, v56, v59;
	v61 =	vsel vm6, v58, v60  }
0x72: {  	[tilespmem:$0x2C0] =	vst v1;
	v62 =	vsel vm7, v58, v2;
	v63 =	vsel vm8, v0, v61  }
0x73: {  	v0 =	vsel vm9, v0, v62;
	[tilespmem:$0x2D0] =	vst v63  }
0x74: {  	s29 =	sadd.s32 $0xC00, s1;
	s30 =	simm.s32 $0x280;
	s31 =	simm.s32 $0x2;
	[tilespmem:$0x2D4] =	vst v0  }
0x75: {  	[hbm4b:s29+s2] =	stream.linear.scatter [tilespmem:s30], [sflag:$0x2], $0x64, $0x38;
	[tilespmem:$0x300] =	vst v63  }
0x76: {  	_ =	swait.ge [sflag:s31], $0x64  }
0x77: {  	[sflag:s31] =	ssyncset.done $0x0  }
0x78: {  	[sflag:s31] =	ssyncadd.s32 $0xFFFFFF9C  }
0x79: {  	_ =	sfence.sel $0x180000  }
0x7a: {  	[bflag:$0x0] =	sbarrier.arrive $0xFFFF  }
0x7b: {  	_ =	strace $0x90000047  }
0x7c: {  	s0 =	sadd.s32 $0x100000, s0;
	[bflag:$0x2] =	sbarrier.arrive $0xFFFF  }
0x7d: {  	[sflag:s0] =	ssyncadd.tile.s32 $0x1;
	_ =	shalt  }
.Lfunc_end2:
_tile_overlayer_lowered:
.L_overlay_start_2:
0x7e: {  	(tag) =	ssettag $0x2  }
0x7f: {  	s0 =	rddreg [dreg:$0x0];
	s2 =	stileid.u32  }
0x80: {  	s1 =	rddreg [dreg:$0x1];
	p0 =	sne.s32 s2, $0x0  }
0x81: {  	s3 =	rddreg [dreg:$0x2];
	[bflag:$0x3] =	sbarrier.arrive $0xFFFF;
	s2 =	simm.s32 @!p0 $0x1C02  }
0x82: {  	[timem:s3], [sflag:s2] =	dma.local @!p0 [hbm:s0], s1  }
0x83: {  	s0 =	simm.s32 @!p0 $0x2  }
0x84: {  	_ =	swait.ge @!p0 [sflag:s0], s1  }
0x85: {  	s1 =	ssub.s32 @!p0 $0x0, s1;
	[sflag:s0] =	ssyncset.done @!p0 $0x0  }
0x86: {  	[sflag:s0] =	ssyncadd.s32 @!p0 s1  }
0x87: {  	[bflag:$0x3] =	sbarrier.arrive $0xFFFF  }
0x88: {  	_ =	shalt  }

</sc_bundles>
